<compile_context>
chip_gen: v7x
topology: tpu7x:2x2x1
jax: 0.10.2.dev20260603
libtpu: 0.0.44.dev20260713+nightly
codegen_flags: <defaults>
</compile_context>

<pallas_src>
import functools

import jax
import jax.numpy as jnp
from jax import lax
from jax.experimental import pallas as pl
from jax.experimental.pallas import tpu as pltpu
from jax.experimental.pallas import tpu_sc as plsc

BETA = 1.0
NHEADS = 8




def _qkv_ucb_body(x_ref, w_ref, counts_ref, logc_ref, qkv_ref, gu_ref,
                  *, n, c, hd):
    scale = hd ** -0.5
    qkv_ref[0] = lax.dot_general(
        x_ref[0], w_ref[...], (((1,), (1,)), ((), ())),
        preferred_element_type=jnp.float32)
    acc = None
    for h in range(NHEADS):
        q = qkv_ref[0, :, hd * h:hd * (h + 1)] * scale
        k = qkv_ref[0, :, c + hd * h:c + hd * (h + 1)]
        s = lax.dot_general(q, k, (((1,), (1,)), ((), ())),
                            preferred_element_type=jnp.float32)
        e = jnp.exp(s)
        rs = jnp.sum(e, axis=1, keepdims=True)
        w = (1.0 / rs).reshape(1, -1)
        colsum = lax.dot_general(
            w, e, (((1,), (0,)), ((), ())),
            preferred_element_type=jnp.float32)
        patch = colsum[:, 1:] * (1.0 / n)
        counts = counts_ref[h:h + 1, 1:]
        expl = BETA * jnp.sqrt(logc_ref[0, 0] / (counts + 1e-6))
        term = (patch + expl) * (1.0 / NHEADS)
        acc = term if h == 0 else acc + term
    gu_ref[0] = lax.bitcast_convert_type(acc, jnp.int32)


def _attn_body(qkv_ref, keep_ref, w3_ref, bias_ref, out_ref, *, n, c, hd):
    scale = hd ** -0.5
    keep_col = keep_ref[0].reshape(-1, 1)
    keep_col_b = keep_col.astype(jnp.bfloat16)
    ones_col = jnp.ones((n, 1), jnp.bfloat16)
    for h in range(NHEADS):
        q = (qkv_ref[0, :, hd * h:hd * (h + 1)] * scale).astype(jnp.bfloat16)
        k = qkv_ref[0, :, c + hd * h:c + hd * (h + 1)].astype(jnp.bfloat16)
        v = qkv_ref[0, :, 2 * c + hd * h:2 * c + hd * (h + 1)]
        v_aug = jnp.concatenate(
            [v.astype(jnp.bfloat16), ones_col], axis=1)
        vk = v_aug * keep_col_b
        s = lax.dot_general(q, k, (((1,), (1,)), ((), ())),
                            preferred_element_type=jnp.float32)
        e = jnp.exp(s.astype(jnp.bfloat16))
        cf = lax.dot_general(e, v_aug, (((1,), (0,)), ((), ())),
                             preferred_element_type=jnp.float32)
        cm = lax.dot_general(e, vk, (((1,), (0,)), ((), ())),
                             preferred_element_type=jnp.float32)
        af = keep_col / (cf[:, hd:hd + 1] + 1e-8)
        am = (1.0 - keep_col) / (cm[:, hd:hd + 1] + 1e-8)
        ctx = cf[:, :hd] * af + cm[:, :hd] * am
        delta = lax.dot_general(ctx, w3_ref[h], (((1,), (0,)), ((), ())),
                                preferred_element_type=jnp.float32)
        if h == 0:
            out_ref[0] = delta + bias_ref[...]
        else:
            out_ref[0] += delta




def kernel(x, ucb_count_score, Wqkv, Wproj, bproj, counter, pruning_enabled):
    B, N, C = x.shape
    H = NHEADS
    HD = C // H
    NM1 = N - 1
    kk = max(1, int(NM1 * 0.25))
    interp = False

    logc = jnp.log(jnp.float32(counter) + 1.0).reshape(1, 1)

    qkv, global_ucb = pl.pallas_call(
        functools.partial(_qkv_ucb_body, n=N, c=C, hd=HD),
        grid=(B,),
        in_specs=[
            pl.BlockSpec((1, N, C), lambda b: (b, 0, 0)),
            pl.BlockSpec((3 * C, C), lambda b: (0, 0)),
            pl.BlockSpec((H, N), lambda b: (0, 0)),
            pl.BlockSpec((1, 1), lambda b: (0, 0)),
        ],
        out_specs=[
            pl.BlockSpec((1, N, 3 * C), lambda b: (b, 0, 0)),
            pl.BlockSpec((1, 1, NM1), lambda b: (b, 0, 0)),
        ],
        out_shape=[
            jax.ShapeDtypeStruct((B, N, 3 * C), jnp.float32),
            jax.ShapeDtypeStruct((B, 1, NM1), jnp.int32),
        ],
        interpret=interp,
    )(x, Wqkv, ucb_count_score, logc)

    keep1024, col_add = _topk_select(global_ucb.reshape(B, NM1), kk)

    keep_full = jnp.concatenate(
        [jnp.ones((B, 1), jnp.float32), keep1024], axis=1).reshape(B, 1, N)

    w3 = Wproj.T.reshape(H, HD, C)
    out = pl.pallas_call(
        functools.partial(_attn_body, n=N, c=C, hd=HD),
        grid=(B,),
        in_specs=[
            pl.BlockSpec((1, N, 3 * C), lambda b: (b, 0, 0)),
            pl.BlockSpec((1, 1, N), lambda b: (b, 0, 0)),
            pl.BlockSpec((H, HD, C), lambda b: (0, 0, 0)),
            pl.BlockSpec((1, C), lambda b: (0, 0)),
        ],
        out_specs=pl.BlockSpec((1, N, C), lambda b: (b, 0, 0)),
        out_shape=jax.ShapeDtypeStruct((B, N, C), jnp.float32),
        interpret=interp,
    )(qkv, keep_full, w3, bproj.reshape(1, C))

    score_delta = jnp.broadcast_to(
        jnp.concatenate([jnp.zeros((1,), jnp.float32), col_add])[None, :],
        (H, N))
    return (out, score_delta)


def _sc_topk_body(gu_hbm, keep_hbm, coladd_hbm, vals_i, keep_v, pf_v,
                  acc_v, sum_v, *, kk, nm1, nb):
    c = lax.axis_index("c")
    s = lax.axis_index("s")
    nv = nm1 // 16
    zero16 = jnp.zeros((16,), jnp.int32)

    def lanesum(v):
        t = v[0]
        for j in range(1, 16):
            t = t + v[j]
        return t

    @pl.when(jnp.logical_and(c == 0, s < nb))
    def _():
        pltpu.sync_copy(gu_hbm.at[s], vals_i)
        pf_v[pl.ds(0, 16)] = zero16

        def count_ge(t):
            def body(i, acc):
                v = vals_i[pl.ds(i * 16, 16)]
                return acc + jnp.where(v >= t, jnp.int32(1), jnp.int32(0))
            return lanesum(lax.fori_loop(0, nv, body, zero16))

        def step(i, carry):
            t, stop = carry
            cand = t | (jnp.int32(1) << (jnp.int32(30) - i))
            cnt = count_ge(cand)
            t2 = jnp.where(jnp.logical_and(jnp.logical_not(stop),
                                           cnt >= kk), cand, t)
            return (t2, jnp.logical_or(stop, cnt == kk))

        thr, _ = lax.fori_loop(0, 31, step, (jnp.int32(0), False))

        def body_c1(i, acc):
            v = vals_i[pl.ds(i * 16, 16)]
            return acc + jnp.where(v > thr, jnp.int32(1), jnp.int32(0))
        c1 = lanesum(lax.fori_loop(0, nv, body_c1, zero16))
        r = kk - c1

        def body_keep(i, run):
            v = vals_i[pl.ds(i * 16, 16)]
            mgt = v > thr
            mtie = v == thr
            tc = jnp.where(mtie, jnp.int32(1), jnp.int32(0))
            for d in (1, 2, 4, 8):
                pf_v[pl.ds(16, 16)] = tc
                tc = tc + pf_v[pl.ds(16 - d, 16)]
            take = jnp.logical_and(mtie, (tc + run) <= r)
            keep_v[pl.ds(i * 16, 16)] = jnp.where(
                jnp.logical_or(mgt, take), jnp.float32(1.0), jnp.float32(0.0))
            return run + tc[15]
        lax.fori_loop(0, nv, body_keep, jnp.int32(0))
        pltpu.sync_copy(keep_v, keep_hbm.at[s])

    plsc.subcore_barrier()

    @pl.when(jnp.logical_and(c == 0, s == 0))
    def _():
        pltpu.sync_copy(keep_hbm, acc_v)

        def body_sum(i, carry):
            t = acc_v[0, pl.ds(i * 16, 16)]
            for b in range(1, nb):
                t = t + acc_v[b, pl.ds(i * 16, 16)]
            sum_v[pl.ds(i * 16, 16)] = t * (1.0 / nb)
            return carry
        lax.fori_loop(0, nv, body_sum, jnp.int32(0))
        pltpu.sync_copy(sum_v, coladd_hbm)


def _topk_select(gu_i, kk):
    B, NM1 = gu_i.shape
    mesh = plsc.VectorSubcoreMesh(core_axis_name="c", subcore_axis_name="s")
    call = functools.partial(
        pl.kernel,
        out_type=[jax.ShapeDtypeStruct((B, NM1), jnp.float32),
                  jax.ShapeDtypeStruct((NM1,), jnp.float32)],
        mesh=mesh,
        scratch_types=[pltpu.VMEM((NM1,), jnp.int32),
                       pltpu.VMEM((NM1,), jnp.float32),
                       pltpu.VMEM((32,), jnp.int32),
                       pltpu.VMEM((B, NM1), jnp.float32),
                       pltpu.VMEM((NM1,), jnp.float32)],
    )(functools.partial(_sc_topk_body, kk=kk, nm1=NM1, nb=B))
    keep, col_add = call(gu_i)
    return keep, col_add

# --- scband reference (transcript-rebuilt; emitter-appended) ---
"""Pipeline reference for scband-ucbattention-73418170958448 (READ-ONLY COPY).

The authoritative reference and input builder live on the scoring server;
editing this copy changes nothing except your own understanding.
"""

import jax, jax.numpy as jnp
import numpy as np

BETA = 1.0
NUM_HEADS = 8

def setup_inputs(seed: int = 0) -> dict:
    key = jax.random.key(seed)
    k1, k2, k3, k4 = jax.random.split(key, 4)
    B, N, C = 8, 1025, 384
    x = jax.random.normal(k1, (B, N, C), dtype=jnp.float32)
    ucb_count_score = jax.random.uniform(k2, (NUM_HEADS, N), dtype=jnp.float32)
    Wqkv = jax.random.normal(k3, (3 * C, C), dtype=jnp.float32) * 0.02
    Wproj = jax.random.normal(k4, (C, C), dtype=jnp.float32) * 0.02
    bproj = jnp.zeros((C,), dtype=jnp.float32)
    return {"x": x, "ucb_count_score": ucb_count_score, "Wqkv": Wqkv, "Wproj": Wproj, "bproj": bproj, "counter": 100, "pruning_enabled": 1}

def reference(x, ucb_count_score, Wqkv, Wproj, bproj, counter, pruning_enabled):
    B, N, C = x.shape
    H = NUM_HEADS
    HD = C // H
    scale = HD ** (-0.5)
    qkv = x @ Wqkv.T
    qkv = qkv.reshape(B, N, 3, H, HD).transpose(2, 0, 3, 1, 4)
    q, k, v = qkv[0], qkv[1], qkv[2]
    attn_scores = jnp.einsum('bhnd,bhmd->bhnm', q, k) * scale
    attn_probs = jax.nn.softmax(attn_scores, axis=-1)
    # pruning_enabled and counter > 50 -> ucb_score_pruning path (exclude_cls=True)
    kk = max(1, int((N - 1) * 0.25))  # keep_ratio=0.25 -> 256
    patch_scores = attn_probs[:, :, :, 1:].mean(axis=2)        # [B,H,N-1]
    relevant_counts = ucb_count_score[:, 1:]                   # [H,N-1]
    ucb_expl = BETA * jnp.sqrt(jnp.log(counter + 1.0) / (relevant_counts + 1e-6))
    ucb_scores = patch_scores + ucb_expl[None]                 # [B,H,N-1]
    global_ucb = ucb_scores.mean(axis=1)                       # [B,N-1]
    _, sel = jax.lax.top_k(global_ucb, kk)                     # [B,kk]
    tok = sel + 1
    keep = jnp.zeros((B, N), dtype=attn_probs.dtype).at[:, 0].set(1.0)
    keep = keep.at[jnp.arange(B)[:, None], tok].set(1.0)
    mask = jnp.maximum(keep[:, None, :, None], keep[:, None, None, :])  # [B,1,N,N]
    pruned = attn_probs * mask
    pruned = pruned / (pruned.sum(axis=-1, keepdims=True) + 1e-8)
    context = jnp.einsum('bhnm,bhmd->bhnd', pruned, v)
    out = context.transpose(0, 2, 1, 3).reshape(B, N, C)
    out = out @ Wproj.T + bproj
    col_add = jnp.zeros((N,), dtype=jnp.float32).at[tok.flatten()].add(1.0 / B)
    score_delta = jnp.broadcast_to(col_add[None, :], (NUM_HEADS, N))
    return (out, score_delta)

if __name__ == "__main__":
    import jax
    _d = setup_inputs()
    print(jax.jit(kernel)(*tuple(_d.values())))

</pallas_src>

<mosaic_0001>
#map = affine_map<(d0, d1) -> (0, 0)>
#map1 = affine_map<(d0, d1) -> (0)>
module attributes {stable_mosaic.version = 14 : i64} {
  func.func @_sc_topk_body(%arg0: i32, %arg1: i32, %arg2: memref<8x1024xi32, #tpu.memory_space<hbm>>, %arg3: memref<8x1024xf32, #tpu.memory_space<hbm>>, %arg4: memref<1024xf32, #tpu.memory_space<hbm>>, %arg5: memref<1024xi32, #tpu.memory_space<vmem>>, %arg6: memref<1024xf32, #tpu.memory_space<vmem>>, %arg7: memref<32xi32, #tpu.memory_space<vmem>>, %arg8: memref<8x1024xf32, #tpu.memory_space<vmem>>, %arg9: memref<1024xf32, #tpu.memory_space<vmem>>) attributes {dimension_semantics = [#tpu.dimension_semantics<core_parallel>, #tpu.dimension_semantics<subcore_parallel>], iteration_bounds = array<i64: 2, 16>, scalar_prefetch = 0 : i64, scratch_operands = 5 : i64, tpu.core_type = #tpu.core_type<sc_vector_subcore>, window_params = [{transform_indices = #map}, {transform_indices = #map}, {transform_indices = #map1}]} {
    %broadcast_in_dim3A = arith.constant 0 : i32
    %broadcast_in_dim3A_0 = vector.broadcast %broadcast_in_dim3A : i32 to vector<16xi32>
    %eq3A = arith.constant 0 : i32
    %eq3A_1 = arith.cmpi eq, %arg0, %eq3A : i32
    %lt3A = arith.constant 8 : i32
    %lt3A_2 = arith.cmpi slt, %arg1, %lt3A : i32
    %and3A = arith.andi %eq3A_1, %lt3A_2 : i1
    %convert_element_type3A = arith.extui %and3A : i1 to i32
    %cond3A = arith.constant 0 : i32
    %cond3A_3 = arith.cmpi ne, %convert_element_type3A, %cond3A : i32
    scf.if %cond3A_3 {
      "tpu.region"() ({
        %run_scoped3A = tpu.sem_alloc : memref<!tpu.dma_semaphore, #tpu.memory_space<semaphore_mem>>
        %dma_start3A = arith.constant 0 : i32
        %dma_start3A_80 = tpu.memref_slice %arg2[%arg1, %dma_start3A] : memref<8x1024xi32, #tpu.memory_space<hbm>> -> memref<1x1024xi32, #tpu.memory_space<hbm>>
        %dma_start3A_81 = tpu.memref_squeeze %dma_start3A_80 : memref<1x1024xi32, #tpu.memory_space<hbm>> -> memref<1024xi32, #tpu.memory_space<hbm>>
        %dma_start3A_82 = arith.constant 0 : i32
        %dma_start3A_83 = tpu.memref_slice %arg2[%arg1, %dma_start3A_82] : memref<8x1024xi32, #tpu.memory_space<hbm>> -> memref<1x1024xi32, #tpu.memory_space<hbm>>
        %dma_start3A_84 = tpu.memref_squeeze %dma_start3A_83 : memref<1x1024xi32, #tpu.memory_space<hbm>> -> memref<1024xi32, #tpu.memory_space<hbm>>
        tpu.enqueue_dma source(%dma_start3A_84 : memref<1024xi32, #tpu.memory_space<hbm>>) target(%arg5 : memref<1024xi32, #tpu.memory_space<vmem>>) target_semaphore(%run_scoped3A : memref<!tpu.dma_semaphore, #tpu.memory_space<semaphore_mem>>)
        %dma_wait3A = arith.constant 0 : i32
        %dma_wait3A_85 = tpu.memref_slice %arg2[%arg1, %dma_wait3A] : memref<8x1024xi32, #tpu.memory_space<hbm>> -> memref<1x1024xi32, #tpu.memory_space<hbm>>
        %dma_wait3A_86 = tpu.memref_squeeze %dma_wait3A_85 : memref<1x1024xi32, #tpu.memory_space<hbm>> -> memref<1024xi32, #tpu.memory_space<hbm>>
        %dma_wait3A_87 = arith.constant 0 : i32
        %dma_wait3A_88 = tpu.memref_slice %arg2[%arg1, %dma_wait3A_87] : memref<8x1024xi32, #tpu.memory_space<hbm>> -> memref<1x1024xi32, #tpu.memory_space<hbm>>
        %dma_wait3A_89 = tpu.memref_squeeze %dma_wait3A_88 : memref<1x1024xi32, #tpu.memory_space<hbm>> -> memref<1024xi32, #tpu.memory_space<hbm>>
        tpu.wait_dma2 semaphore(%run_scoped3A : memref<!tpu.dma_semaphore, #tpu.memory_space<semaphore_mem>>) src(%dma_wait3A_89 : memref<1024xi32, #tpu.memory_space<hbm>>) dst(%arg5 : memref<1024xi32, #tpu.memory_space<vmem>>)
        tpu.yield
      }) : () -> ()
      %swap3A = arith.constant 0 : index
      %swap3A_12 = tpu.vector_load %arg7[%swap3A] {strides = array<i32>} : memref<32xi32, #tpu.memory_space<vmem>>, vector<16xi32>,
      %swap3A_13 = vector.shape_cast %swap3A_12 : vector<16xi32> to vector<16xi32>
      %swap3A_14 = vector.shape_cast %broadcast_in_dim3A_0 : vector<16xi32> to vector<16xi32>
      tpu.vector_store %arg7[%swap3A], %swap3A_14 {strides = array<i32>} : memref<32xi32, #tpu.memory_space<vmem>>, vector<16xi32>,
      %scan3A = arith.constant 0 : i32
      %scan3A_15 = arith.constant false
      %scan3A_16 = arith.constant 0 : i32
      %scan3A_17 = arith.constant 31 : i32
      %scan3A_18 = arith.addi %scan3A_16, %scan3A_17 : i32
      %scan3A_19 = arith.constant 1 : i32
      %scan3A_20:2 = scf.for %scan3A_80 = %scan3A_16 to %scan3A_18 step %scan3A_19 iter_args(%scan3A_81 = %scan3A, %scan3A_82 = %scan3A_15) -> (i32, i1)  : i32 {
        %sub3A_83 = arith.constant 30 : i32
        %sub3A_84 = arith.subi %sub3A_83, %scan3A_80 : i32
        %shift_left3A = arith.constant 1 : i32
        %shift_left3A_85 = arith.shli %shift_left3A, %sub3A_84 : i32
        %or3A = arith.ori %scan3A_81, %shift_left3A_85 : i32
        %scan3A_86 = arith.constant 0 : i32
        %scan3A_87 = arith.constant 64 : i32
        %scan3A_88 = arith.addi %scan3A_86, %scan3A_87 : i32
        %scan3A_89 = arith.constant 1 : i32
        %scan3A_90 = scf.for %scan3A_145 = %scan3A_86 to %scan3A_88 step %scan3A_89 iter_args(%scan3A_146 = %broadcast_in_dim3A_0) -> (vector<16xi32>)  : i32 {
          %mul3A = arith.constant 16 : i32
          %mul3A_147 = arith.muli %scan3A_145, %mul3A : i32
          %get3A = arith.index_cast %mul3A_147 : i32 to index
          %get3A_148 = tpu.vector_load %arg5[%get3A] {strides = array<i32>} : memref<1024xi32, #tpu.memory_space<vmem>>, vector<16xi32>,
          %get3A_149 = vector.shape_cast %get3A_148 : vector<16xi32> to vector<16xi32>
          %ge3A_150 = vector.broadcast %or3A : i32 to vector<16xi32>
          %ge3A_151 = arith.cmpi sge, %get3A_149, %ge3A_150 : vector<16xi32>
          %jit3A = arith.constant 1 : i32
          %jit3A_152 = arith.constant 0 : i32
          %broadcast_in_dim3A_153 = vector.broadcast %jit3A : i32 to vector<16xi32>
          %broadcast_in_dim3A_154 = vector.broadcast %jit3A_152 : i32 to vector<16xi32>
          %select_n3A_155 = arith.select %ge3A_151, %broadcast_in_dim3A_153, %broadcast_in_dim3A_154 : vector<16xi1>, vector<16xi32>
          %add3A_156 = arith.addi %scan3A_146, %select_n3A_155 : vector<16xi32>
          scf.yield %add3A_156 : vector<16xi32>
        }
        %scan3A_91 = arith.constant 64 : i32
        %slice3A_92 = vector.extract_strided_slice %scan3A_90 {offsets = [0], sizes = [1], strides = [1]} : vector<16xi32> to vector<1xi32>
        %squeeze3A_93 = vector.extract %slice3A_92[0] : i32 from vector<1xi32>
        %slice3A_94 = vector.extract_strided_slice %scan3A_90 {offsets = [1], sizes = [1], strides = [1]} : vector<16xi32> to vector<1xi32>
        %squeeze3A_95 = vector.extract %slice3A_94[0] : i32 from vector<1xi32>
        %add3A_96 = arith.addi %squeeze3A_93, %squeeze3A_95 : i32
        %slice3A_97 = vector.extract_strided_slice %scan3A_90 {offsets = [2], sizes = [1], strides = [1]} : vector<16xi32> to vector<1xi32>
        %squeeze3A_98 = vector.extract %slice3A_97[0] : i32 from vector<1xi32>
        %add3A_99 = arith.addi %add3A_96, %squeeze3A_98 : i32
        %slice3A_100 = vector.extract_strided_slice %scan3A_90 {offsets = [3], sizes = [1], strides = [1]} : vector<16xi32> to vector<1xi32>
        %squeeze3A_101 = vector.extract %slice3A_100[0] : i32 from vector<1xi32>
        %add3A_102 = arith.addi %add3A_99, %squeeze3A_101 : i32
        %slice3A_103 = vector.extract_strided_slice %scan3A_90 {offsets = [4], sizes = [1], strides = [1]} : vector<16xi32> to vector<1xi32>
        %squeeze3A_104 = vector.extract %slice3A_103[0] : i32 from vector<1xi32>
        %add3A_105 = arith.addi %add3A_102, %squeeze3A_104 : i32
        %slice3A_106 = vector.extract_strided_slice %scan3A_90 {offsets = [5], sizes = [1], strides = [1]} : vector<16xi32> to vector<1xi32>
        %squeeze3A_107 = vector.extract %slice3A_106[0] : i32 from vector<1xi32>
        %add3A_108 = arith.addi %add3A_105, %squeeze3A_107 : i32
        %slice3A_109 = vector.extract_strided_slice %scan3A_90 {offsets = [6], sizes = [1], strides = [1]} : vector<16xi32> to vector<1xi32>
        %squeeze3A_110 = vector.extract %slice3A_109[0] : i32 from vector<1xi32>
        %add3A_111 = arith.addi %add3A_108, %squeeze3A_110 : i32
        %slice3A_112 = vector.extract_strided_slice %scan3A_90 {offsets = [7], sizes = [1], strides = [1]} : vector<16xi32> to vector<1xi32>
        %squeeze3A_113 = vector.extract %slice3A_112[0] : i32 from vector<1xi32>
        %add3A_114 = arith.addi %add3A_111, %squeeze3A_113 : i32
        %slice3A_115 = vector.extract_strided_slice %scan3A_90 {offsets = [8], sizes = [1], strides = [1]} : vector<16xi32> to vector<1xi32>
        %squeeze3A_116 = vector.extract %slice3A_115[0] : i32 from vector<1xi32>
        %add3A_117 = arith.addi %add3A_114, %squeeze3A_116 : i32
        %slice3A_118 = vector.extract_strided_slice %scan3A_90 {offsets = [9], sizes = [1], strides = [1]} : vector<16xi32> to vector<1xi32>
        %squeeze3A_119 = vector.extract %slice3A_118[0] : i32 from vector<1xi32>
        %add3A_120 = arith.addi %add3A_117, %squeeze3A_119 : i32
        %slice3A_121 = vector.extract_strided_slice %scan3A_90 {offsets = [10], sizes = [1], strides = [1]} : vector<16xi32> to vector<1xi32>
        %squeeze3A_122 = vector.extract %slice3A_121[0] : i32 from vector<1xi32>
        %add3A_123 = arith.addi %add3A_120, %squeeze3A_122 : i32
        %slice3A_124 = vector.extract_strided_slice %scan3A_90 {offsets = [11], sizes = [1], strides = [1]} : vector<16xi32> to vector<1xi32>
        %squeeze3A_125 = vector.extract %slice3A_124[0] : i32 from vector<1xi32>
        %add3A_126 = arith.addi %add3A_123, %squeeze3A_125 : i32
        %slice3A_127 = vector.extract_strided_slice %scan3A_90 {offsets = [12], sizes = [1], strides = [1]} : vector<16xi32> to vector<1xi32>
        %squeeze3A_128 = vector.extract %slice3A_127[0] : i32 from vector<1xi32>
        %add3A_129 = arith.addi %add3A_126, %squeeze3A_128 : i32
        %slice3A_130 = vector.extract_strided_slice %scan3A_90 {offsets = [13], sizes = [1], strides = [1]} : vector<16xi32> to vector<1xi32>
        %squeeze3A_131 = vector.extract %slice3A_130[0] : i32 from vector<1xi32>
        %add3A_132 = arith.addi %add3A_129, %squeeze3A_131 : i32
        %slice3A_133 = vector.extract_strided_slice %scan3A_90 {offsets = [14], sizes = [1], strides = [1]} : vector<16xi32> to vector<1xi32>
        %squeeze3A_134 = vector.extract %slice3A_133[0] : i32 from vector<1xi32>
        %add3A_135 = arith.addi %add3A_132, %squeeze3A_134 : i32
        %slice3A_136 = vector.extract_strided_slice %scan3A_90 {offsets = [15], sizes = [1], strides = [1]} : vector<16xi32> to vector<1xi32>
        %squeeze3A_137 = vector.extract %slice3A_136[0] : i32 from vector<1xi32>
        %add3A_138 = arith.addi %add3A_135, %squeeze3A_137 : i32
        %not3A = arith.constant true
        %not3A_139 = arith.xori %scan3A_82, %not3A : i1
        %ge3A = arith.constant 256 : i32
        %ge3A_140 = arith.cmpi sge, %add3A_138, %ge3A : i32
        %and3A_141 = arith.andi %not3A_139, %ge3A_140 : i1
        %select_n3A = arith.select %and3A_141, %or3A, %scan3A_81 : i32
        %eq3A_142 = arith.constant 256 : i32
        %eq3A_143 = arith.cmpi eq, %add3A_138, %eq3A_142 : i32
        %or3A_144 = arith.ori %scan3A_82, %eq3A_143 : i1
        scf.yield %select_n3A, %or3A_144 : i32, i1
      }
      %scan3A_21 = arith.constant 31 : i32
      %scan3A_22 = arith.constant 0 : i32
      %scan3A_23 = arith.constant 64 : i32
      %scan3A_24 = arith.addi %scan3A_22, %scan3A_23 : i32
      %scan3A_25 = arith.constant 1 : i32
      %scan3A_26 = scf.for %scan3A_80 = %scan3A_22 to %scan3A_24 step %scan3A_25 iter_args(%scan3A_81 = %broadcast_in_dim3A_0) -> (vector<16xi32>)  : i32 {
        %mul3A = arith.constant 16 : i32
        %mul3A_82 = arith.muli %scan3A_80, %mul3A : i32
        %get3A = arith.index_cast %mul3A_82 : i32 to index
        %get3A_83 = tpu.vector_load %arg5[%get3A] {strides = array<i32>} : memref<1024xi32, #tpu.memory_space<vmem>>, vector<16xi32>,
        %get3A_84 = vector.shape_cast %get3A_83 : vector<16xi32> to vector<16xi32>
        %gt3A = vector.broadcast %scan3A_20#0 : i32 to vector<16xi32>
        %gt3A_85 = arith.cmpi sgt, %get3A_84, %gt3A : vector<16xi32>
        %jit3A = arith.constant 1 : i32
        %jit3A_86 = arith.constant 0 : i32
        %broadcast_in_dim3A_87 = vector.broadcast %jit3A : i32 to vector<16xi32>
        %broadcast_in_dim3A_88 = vector.broadcast %jit3A_86 : i32 to vector<16xi32>
        %select_n3A = arith.select %gt3A_85, %broadcast_in_dim3A_87, %broadcast_in_dim3A_88 : vector<16xi1>, vector<16xi32>
        %add3A_89 = arith.addi %scan3A_81, %select_n3A : vector<16xi32>
        scf.yield %add3A_89 : vector<16xi32>
      }
      %scan3A_27 = arith.constant 64 : i32
      %slice3A = vector.extract_strided_slice %scan3A_26 {offsets = [0], sizes = [1], strides = [1]} : vector<16xi32> to vector<1xi32>
      %squeeze3A = vector.extract %slice3A[0] : i32 from vector<1xi32>
      %slice3A_28 = vector.extract_strided_slice %scan3A_26 {offsets = [1], sizes = [1], strides = [1]} : vector<16xi32> to vector<1xi32>
      %squeeze3A_29 = vector.extract %slice3A_28[0] : i32 from vector<1xi32>
      %add3A = arith.addi %squeeze3A, %squeeze3A_29 : i32
      %slice3A_30 = vector.extract_strided_slice %scan3A_26 {offsets = [2], sizes = [1], strides = [1]} : vector<16xi32> to vector<1xi32>
      %squeeze3A_31 = vector.extract %slice3A_30[0] : i32 from vector<1xi32>
      %add3A_32 = arith.addi %add3A, %squeeze3A_31 : i32
      %slice3A_33 = vector.extract_strided_slice %scan3A_26 {offsets = [3], sizes = [1], strides = [1]} : vector<16xi32> to vector<1xi32>
      %squeeze3A_34 = vector.extract %slice3A_33[0] : i32 from vector<1xi32>
      %add3A_35 = arith.addi %add3A_32, %squeeze3A_34 : i32
      %slice3A_36 = vector.extract_strided_slice %scan3A_26 {offsets = [4], sizes = [1], strides = [1]} : vector<16xi32> to vector<1xi32>
      %squeeze3A_37 = vector.extract %slice3A_36[0] : i32 from vector<1xi32>
      %add3A_38 = arith.addi %add3A_35, %squeeze3A_37 : i32
      %slice3A_39 = vector.extract_strided_slice %scan3A_26 {offsets = [5], sizes = [1], strides = [1]} : vector<16xi32> to vector<1xi32>
      %squeeze3A_40 = vector.extract %slice3A_39[0] : i32 from vector<1xi32>
      %add3A_41 = arith.addi %add3A_38, %squeeze3A_40 : i32
      %slice3A_42 = vector.extract_strided_slice %scan3A_26 {offsets = [6], sizes = [1], strides = [1]} : vector<16xi32> to vector<1xi32>
      %squeeze3A_43 = vector.extract %slice3A_42[0] : i32 from vector<1xi32>
      %add3A_44 = arith.addi %add3A_41, %squeeze3A_43 : i32
      %slice3A_45 = vector.extract_strided_slice %scan3A_26 {offsets = [7], sizes = [1], strides = [1]} : vector<16xi32> to vector<1xi32>
      %squeeze3A_46 = vector.extract %slice3A_45[0] : i32 from vector<1xi32>
      %add3A_47 = arith.addi %add3A_44, %squeeze3A_46 : i32
      %slice3A_48 = vector.extract_strided_slice %scan3A_26 {offsets = [8], sizes = [1], strides = [1]} : vector<16xi32> to vector<1xi32>
      %squeeze3A_49 = vector.extract %slice3A_48[0] : i32 from vector<1xi32>
      %add3A_50 = arith.addi %add3A_47, %squeeze3A_49 : i32
      %slice3A_51 = vector.extract_strided_slice %scan3A_26 {offsets = [9], sizes = [1], strides = [1]} : vector<16xi32> to vector<1xi32>
      %squeeze3A_52 = vector.extract %slice3A_51[0] : i32 from vector<1xi32>
      %add3A_53 = arith.addi %add3A_50, %squeeze3A_52 : i32
      %slice3A_54 = vector.extract_strided_slice %scan3A_26 {offsets = [10], sizes = [1], strides = [1]} : vector<16xi32> to vector<1xi32>
      %squeeze3A_55 = vector.extract %slice3A_54[0] : i32 from vector<1xi32>
      %add3A_56 = arith.addi %add3A_53, %squeeze3A_55 : i32
      %slice3A_57 = vector.extract_strided_slice %scan3A_26 {offsets = [11], sizes = [1], strides = [1]} : vector<16xi32> to vector<1xi32>
      %squeeze3A_58 = vector.extract %slice3A_57[0] : i32 from vector<1xi32>
      %add3A_59 = arith.addi %add3A_56, %squeeze3A_58 : i32
      %slice3A_60 = vector.extract_strided_slice %scan3A_26 {offsets = [12], sizes = [1], strides = [1]} : vector<16xi32> to vector<1xi32>
      %squeeze3A_61 = vector.extract %slice3A_60[0] : i32 from vector<1xi32>
      %add3A_62 = arith.addi %add3A_59, %squeeze3A_61 : i32
      %slice3A_63 = vector.extract_strided_slice %scan3A_26 {offsets = [13], sizes = [1], strides = [1]} : vector<16xi32> to vector<1xi32>
      %squeeze3A_64 = vector.extract %slice3A_63[0] : i32 from vector<1xi32>
      %add3A_65 = arith.addi %add3A_62, %squeeze3A_64 : i32
      %slice3A_66 = vector.extract_strided_slice %scan3A_26 {offsets = [14], sizes = [1], strides = [1]} : vector<16xi32> to vector<1xi32>
      %squeeze3A_67 = vector.extract %slice3A_66[0] : i32 from vector<1xi32>
      %add3A_68 = arith.addi %add3A_65, %squeeze3A_67 : i32
      %slice3A_69 = vector.extract_strided_slice %scan3A_26 {offsets = [15], sizes = [1], strides = [1]} : vector<16xi32> to vector<1xi32>
      %squeeze3A_70 = vector.extract %slice3A_69[0] : i32 from vector<1xi32>
      %add3A_71 = arith.addi %add3A_68, %squeeze3A_70 : i32
      %sub3A = arith.constant 256 : i32
      %sub3A_72 = arith.subi %sub3A, %add3A_71 : i32
      %scan3A_73 = arith.constant 0 : i32
      %scan3A_74 = arith.constant 0 : i32
      %scan3A_75 = arith.constant 64 : i32
      %scan3A_76 = arith.addi %scan3A_74, %scan3A_75 : i32
      %scan3A_77 = arith.constant 1 : i32
      %scan3A_78 = scf.for %scan3A_80 = %scan3A_74 to %scan3A_76 step %scan3A_77 iter_args(%scan3A_81 = %scan3A_73) -> (i32)  : i32 {
        %mul3A = arith.constant 16 : i32
        %mul3A_82 = arith.muli %scan3A_80, %mul3A : i32
        %get3A = arith.index_cast %mul3A_82 : i32 to index
        %get3A_83 = tpu.vector_load %arg5[%get3A] {strides = array<i32>} : memref<1024xi32, #tpu.memory_space<vmem>>, vector<16xi32>,
        %get3A_84 = vector.shape_cast %get3A_83 : vector<16xi32> to vector<16xi32>
        %gt3A = vector.broadcast %scan3A_20#0 : i32 to vector<16xi32>
        %gt3A_85 = arith.cmpi sgt, %get3A_84, %gt3A : vector<16xi32>
        %eq3A_86 = vector.broadcast %scan3A_20#0 : i32 to vector<16xi32>
        %eq3A_87 = arith.cmpi eq, %get3A_84, %eq3A_86 : vector<16xi32>
        %jit3A = arith.constant 1 : i32
        %jit3A_88 = arith.constant 0 : i32
        %broadcast_in_dim3A_89 = vector.broadcast %jit3A : i32 to vector<16xi32>
        %broadcast_in_dim3A_90 = vector.broadcast %jit3A_88 : i32 to vector<16xi32>
        %select_n3A = arith.select %eq3A_87, %broadcast_in_dim3A_89, %broadcast_in_dim3A_90 : vector<16xi1>, vector<16xi32>
        %swap3A_91 = arith.constant 16 : index
        %swap3A_92 = tpu.vector_load %arg7[%swap3A_91] {strides = array<i32>} : memref<32xi32, #tpu.memory_space<vmem>>, vector<16xi32>,
        %swap3A_93 = vector.shape_cast %swap3A_92 : vector<16xi32> to vector<16xi32>
        %swap3A_94 = vector.shape_cast %select_n3A : vector<16xi32> to vector<16xi32>
        tpu.vector_store %arg7[%swap3A_91], %swap3A_94 {strides = array<i32>} : memref<32xi32, #tpu.memory_space<vmem>>, vector<16xi32>,
        %get3A_95 = arith.constant 15 : index
        %get3A_96 = tpu.vector_load %arg7[%get3A_95] {strides = array<i32>} : memref<32xi32, #tpu.memory_space<vmem>>, vector<16xi32>,
        %get3A_97 = vector.shape_cast %get3A_96 : vector<16xi32> to vector<16xi32>
        %add3A_98 = arith.addi %select_n3A, %get3A_97 : vector<16xi32>
        %swap3A_99 = arith.constant 16 : index
        %swap3A_100 = tpu.vector_load %arg7[%swap3A_99] {strides = array<i32>} : memref<32xi32, #tpu.memory_space<vmem>>, vector<16xi32>,
        %swap3A_101 = vector.shape_cast %swap3A_100 : vector<16xi32> to vector<16xi32>
        %swap3A_102 = vector.shape_cast %add3A_98 : vector<16xi32> to vector<16xi32>
        tpu.vector_store %arg7[%swap3A_99], %swap3A_102 {strides = array<i32>} : memref<32xi32, #tpu.memory_space<vmem>>, vector<16xi32>,
        %get3A_103 = arith.constant 14 : index
        %get3A_104 = tpu.vector_load %arg7[%get3A_103] {strides = array<i32>} : memref<32xi32, #tpu.memory_space<vmem>>, vector<16xi32>,
        %get3A_105 = vector.shape_cast %get3A_104 : vector<16xi32> to vector<16xi32>
        %add3A_106 = arith.addi %add3A_98, %get3A_105 : vector<16xi32>
        %swap3A_107 = arith.constant 16 : index
        %swap3A_108 = tpu.vector_load %arg7[%swap3A_107] {strides = array<i32>} : memref<32xi32, #tpu.memory_space<vmem>>, vector<16xi32>,
        %swap3A_109 = vector.shape_cast %swap3A_108 : vector<16xi32> to vector<16xi32>
        %swap3A_110 = vector.shape_cast %add3A_106 : vector<16xi32> to vector<16xi32>
        tpu.vector_store %arg7[%swap3A_107], %swap3A_110 {strides = array<i32>} : memref<32xi32, #tpu.memory_space<vmem>>, vector<16xi32>,
        %get3A_111 = arith.constant 12 : index
        %get3A_112 = tpu.vector_load %arg7[%get3A_111] {strides = array<i32>} : memref<32xi32, #tpu.memory_space<vmem>>, vector<16xi32>,
        %get3A_113 = vector.shape_cast %get3A_112 : vector<16xi32> to vector<16xi32>
        %add3A_114 = arith.addi %add3A_106, %get3A_113 : vector<16xi32>
        %swap3A_115 = arith.constant 16 : index
        %swap3A_116 = tpu.vector_load %arg7[%swap3A_115] {strides = array<i32>} : memref<32xi32, #tpu.memory_space<vmem>>, vector<16xi32>,
        %swap3A_117 = vector.shape_cast %swap3A_116 : vector<16xi32> to vector<16xi32>
        %swap3A_118 = vector.shape_cast %add3A_114 : vector<16xi32> to vector<16xi32>
        tpu.vector_store %arg7[%swap3A_115], %swap3A_118 {strides = array<i32>} : memref<32xi32, #tpu.memory_space<vmem>>, vector<16xi32>,
        %get3A_119 = arith.constant 8 : index
        %get3A_120 = tpu.vector_load %arg7[%get3A_119] {strides = array<i32>} : memref<32xi32, #tpu.memory_space<vmem>>, vector<16xi32>,
        %get3A_121 = vector.shape_cast %get3A_120 : vector<16xi32> to vector<16xi32>
        %add3A_122 = arith.addi %add3A_114, %get3A_121 : vector<16xi32>
        %add3A_123 = vector.broadcast %scan3A_81 : i32 to vector<16xi32>
        %add3A_124 = arith.addi %add3A_122, %add3A_123 : vector<16xi32>
        %le3A = vector.broadcast %sub3A_72 : i32 to vector<16xi32>
        %le3A_125 = arith.cmpi sle, %add3A_124, %le3A : vector<16xi32>
        %and3A_126 = arith.andi %eq3A_87, %le3A_125 : vector<16xi1>
        %or3A = arith.ori %gt3A_85, %and3A_126 : vector<16xi1>
        %jit3A_127 = arith.constant 1.000000e+00 : f32
        %jit3A_128 = arith.constant 0.000000e+00 : f32
        %broadcast_in_dim3A_129 = vector.broadcast %jit3A_127 : f32 to vector<16xf32>
        %broadcast_in_dim3A_130 = vector.broadcast %jit3A_128 : f32 to vector<16xf32>
        %select_n3A_131 = arith.select %or3A, %broadcast_in_dim3A_129, %broadcast_in_dim3A_130 : vector<16xi1>, vector<16xf32>
        %mul3A_132 = arith.constant 16 : i32
        %mul3A_133 = arith.muli %scan3A_80, %mul3A_132 : i32
        %swap3A_134 = arith.index_cast %mul3A_133 : i32 to index
        %swap3A_135 = tpu.vector_load %arg6[%swap3A_134] {strides = array<i32>} : memref<1024xf32, #tpu.memory_space<vmem>>, vector<16xf32>,
        %swap3A_136 = vector.shape_cast %swap3A_135 : vector<16xf32> to vector<16xf32>
        %swap3A_137 = vector.shape_cast %select_n3A_131 : vector<16xf32> to vector<16xf32>
        tpu.vector_store %arg6[%swap3A_134], %swap3A_137 {strides = array<i32>} : memref<1024xf32, #tpu.memory_space<vmem>>, vector<16xf32>,
        %slice3A_138 = vector.extract_strided_slice %add3A_122 {offsets = [15], sizes = [1], strides = [1]} : vector<16xi32> to vector<1xi32>
        %squeeze3A_139 = vector.extract %slice3A_138[0] : i32 from vector<1xi32>
        %add3A_140 = arith.addi %scan3A_81, %squeeze3A_139 : i32
        scf.yield %add3A_140 : i32
      }
      %scan3A_79 = arith.constant 64 : i32
      "tpu.region"() ({
        %run_scoped3A = tpu.sem_alloc : memref<!tpu.dma_semaphore, #tpu.memory_space<semaphore_mem>>
        %dma_start3A = arith.constant 0 : i32
        %dma_start3A_80 = tpu.memref_slice %arg3[%arg1, %dma_start3A] : memref<8x1024xf32, #tpu.memory_space<hbm>> -> memref<1x1024xf32, #tpu.memory_space<hbm>>
        %dma_start3A_81 = tpu.memref_squeeze %dma_start3A_80 : memref<1x1024xf32, #tpu.memory_space<hbm>> -> memref<1024xf32, #tpu.memory_space<hbm>>
        %dma_start3A_82 = arith.constant 0 : i32
        %dma_start3A_83 = tpu.memref_slice %arg3[%arg1, %dma_start3A_82] : memref<8x1024xf32, #tpu.memory_space<hbm>> -> memref<1x1024xf32, #tpu.memory_space<hbm>>
        %dma_start3A_84 = tpu.memref_squeeze %dma_start3A_83 : memref<1x1024xf32, #tpu.memory_space<hbm>> -> memref<1024xf32, #tpu.memory_space<hbm>>
        tpu.enqueue_dma source(%arg6 : memref<1024xf32, #tpu.memory_space<vmem>>) target(%dma_start3A_84 : memref<1024xf32, #tpu.memory_space<hbm>>) target_semaphore(%run_scoped3A : memref<!tpu.dma_semaphore, #tpu.memory_space<semaphore_mem>>)
        %dma_wait3A = arith.constant 0 : i32
        %dma_wait3A_85 = tpu.memref_slice %arg3[%arg1, %dma_wait3A] : memref<8x1024xf32, #tpu.memory_space<hbm>> -> memref<1x1024xf32, #tpu.memory_space<hbm>>
        %dma_wait3A_86 = tpu.memref_squeeze %dma_wait3A_85 : memref<1x1024xf32, #tpu.memory_space<hbm>> -> memref<1024xf32, #tpu.memory_space<hbm>>
        %dma_wait3A_87 = arith.constant 0 : i32
        %dma_wait3A_88 = tpu.memref_slice %arg3[%arg1, %dma_wait3A_87] : memref<8x1024xf32, #tpu.memory_space<hbm>> -> memref<1x1024xf32, #tpu.memory_space<hbm>>
        %dma_wait3A_89 = tpu.memref_squeeze %dma_wait3A_88 : memref<1x1024xf32, #tpu.memory_space<hbm>> -> memref<1024xf32, #tpu.memory_space<hbm>>
        tpu.wait_dma2 semaphore(%run_scoped3A : memref<!tpu.dma_semaphore, #tpu.memory_space<semaphore_mem>>) src(%arg6 : memref<1024xf32, #tpu.memory_space<vmem>>) dst(%dma_wait3A_89 : memref<1024xf32, #tpu.memory_space<hbm>>)
        tpu.yield
      }) : () -> ()
    } else {
    }
    %barrier3A = arith.constant 0 : index
    tpu.barrier barrier_id(%barrier3A)
    %eq3A_4 = arith.constant 0 : i32
    %eq3A_5 = arith.cmpi eq, %arg0, %eq3A_4 : i32
    %eq3A_6 = arith.constant 0 : i32
    %eq3A_7 = arith.cmpi eq, %arg1, %eq3A_6 : i32
    %and3A_8 = arith.andi %eq3A_5, %eq3A_7 : i1
    %convert_element_type3A_9 = arith.extui %and3A_8 : i1 to i32
    %cond3A_10 = arith.constant 0 : i32
    %cond3A_11 = arith.cmpi ne, %convert_element_type3A_9, %cond3A_10 : i32
    scf.if %cond3A_11 {
      "tpu.region"() ({
        %run_scoped3A = tpu.sem_alloc : memref<!tpu.dma_semaphore, #tpu.memory_space<semaphore_mem>>
        tpu.enqueue_dma source(%arg3 : memref<8x1024xf32, #tpu.memory_space<hbm>>) target(%arg8 : memref<8x1024xf32, #tpu.memory_space<vmem>>) target_semaphore(%run_scoped3A : memref<!tpu.dma_semaphore, #tpu.memory_space<semaphore_mem>>)
        tpu.wait_dma2 semaphore(%run_scoped3A : memref<!tpu.dma_semaphore, #tpu.memory_space<semaphore_mem>>) src(%arg3 : memref<8x1024xf32, #tpu.memory_space<hbm>>) dst(%arg8 : memref<8x1024xf32, #tpu.memory_space<vmem>>)
        tpu.yield
      }) : () -> ()
      %scan3A = arith.constant 0 : i32
      %scan3A_12 = arith.constant 0 : i32
      %scan3A_13 = arith.constant 64 : i32
      %scan3A_14 = arith.addi %scan3A_12, %scan3A_13 : i32
      %scan3A_15 = arith.constant 1 : i32
      scf.for %scan3A_17 = %scan3A_12 to %scan3A_14 step %scan3A_15  : i32 {
        %mul3A = arith.constant 16 : i32
        %mul3A_18 = arith.muli %scan3A_17, %mul3A : i32
        %get3A = arith.constant 0 : i32
        %get3A_19 = arith.index_cast %get3A : i32 to index
        %get3A_20 = arith.index_cast %mul3A_18 : i32 to index
        %get3A_21 = tpu.vector_load %arg8[%get3A_19, %get3A_20] {strides = array<i32>} : memref<8x1024xf32, #tpu.memory_space<vmem>>, vector<1x16xf32>,
        %get3A_22 = vector.shape_cast %get3A_21 : vector<1x16xf32> to vector<16xf32>
        %mul3A_23 = arith.constant 16 : i32
        %mul3A_24 = arith.muli %scan3A_17, %mul3A_23 : i32
        %get3A_25 = arith.constant 1 : i32
        %get3A_26 = arith.index_cast %get3A_25 : i32 to index
        %get3A_27 = arith.index_cast %mul3A_24 : i32 to index
        %get3A_28 = tpu.vector_load %arg8[%get3A_26, %get3A_27] {strides = array<i32>} : memref<8x1024xf32, #tpu.memory_space<vmem>>, vector<1x16xf32>,
        %get3A_29 = vector.shape_cast %get3A_28 : vector<1x16xf32> to vector<16xf32>
        %add3A = arith.addf %get3A_22, %get3A_29 : vector<16xf32>
        %mul3A_30 = arith.constant 16 : i32
        %mul3A_31 = arith.muli %scan3A_17, %mul3A_30 : i32
        %get3A_32 = arith.constant 2 : i32
        %get3A_33 = arith.index_cast %get3A_32 : i32 to index
        %get3A_34 = arith.index_cast %mul3A_31 : i32 to index
        %get3A_35 = tpu.vector_load %arg8[%get3A_33, %get3A_34] {strides = array<i32>} : memref<8x1024xf32, #tpu.memory_space<vmem>>, vector<1x16xf32>,
        %get3A_36 = vector.shape_cast %get3A_35 : vector<1x16xf32> to vector<16xf32>
        %add3A_37 = arith.addf %add3A, %get3A_36 : vector<16xf32>
        %mul3A_38 = arith.constant 16 : i32
        %mul3A_39 = arith.muli %scan3A_17, %mul3A_38 : i32
        %get3A_40 = arith.constant 3 : i32
        %get3A_41 = arith.index_cast %get3A_40 : i32 to index
        %get3A_42 = arith.index_cast %mul3A_39 : i32 to index
        %get3A_43 = tpu.vector_load %arg8[%get3A_41, %get3A_42] {strides = array<i32>} : memref<8x1024xf32, #tpu.memory_space<vmem>>, vector<1x16xf32>,
        %get3A_44 = vector.shape_cast %get3A_43 : vector<1x16xf32> to vector<16xf32>
        %add3A_45 = arith.addf %add3A_37, %get3A_44 : vector<16xf32>
        %mul3A_46 = arith.constant 16 : i32
        %mul3A_47 = arith.muli %scan3A_17, %mul3A_46 : i32
        %get3A_48 = arith.constant 4 : i32
        %get3A_49 = arith.index_cast %get3A_48 : i32 to index
        %get3A_50 = arith.index_cast %mul3A_47 : i32 to index
        %get3A_51 = tpu.vector_load %arg8[%get3A_49, %get3A_50] {strides = array<i32>} : memref<8x1024xf32, #tpu.memory_space<vmem>>, vector<1x16xf32>,
        %get3A_52 = vector.shape_cast %get3A_51 : vector<1x16xf32> to vector<16xf32>
        %add3A_53 = arith.addf %add3A_45, %get3A_52 : vector<16xf32>
        %mul3A_54 = arith.constant 16 : i32
        %mul3A_55 = arith.muli %scan3A_17, %mul3A_54 : i32
        %get3A_56 = arith.constant 5 : i32
        %get3A_57 = arith.index_cast %get3A_56 : i32 to index
        %get3A_58 = arith.index_cast %mul3A_55 : i32 to index
        %get3A_59 = tpu.vector_load %arg8[%get3A_57, %get3A_58] {strides = array<i32>} : memref<8x1024xf32, #tpu.memory_space<vmem>>, vector<1x16xf32>,
        %get3A_60 = vector.shape_cast %get3A_59 : vector<1x16xf32> to vector<16xf32>
        %add3A_61 = arith.addf %add3A_53, %get3A_60 : vector<16xf32>
        %mul3A_62 = arith.constant 16 : i32
        %mul3A_63 = arith.muli %scan3A_17, %mul3A_62 : i32
        %get3A_64 = arith.constant 6 : i32
        %get3A_65 = arith.index_cast %get3A_64 : i32 to index
        %get3A_66 = arith.index_cast %mul3A_63 : i32 to index
        %get3A_67 = tpu.vector_load %arg8[%get3A_65, %get3A_66] {strides = array<i32>} : memref<8x1024xf32, #tpu.memory_space<vmem>>, vector<1x16xf32>,
        %get3A_68 = vector.shape_cast %get3A_67 : vector<1x16xf32> to vector<16xf32>
        %add3A_69 = arith.addf %add3A_61, %get3A_68 : vector<16xf32>
        %mul3A_70 = arith.constant 16 : i32
        %mul3A_71 = arith.muli %scan3A_17, %mul3A_70 : i32
        %get3A_72 = arith.constant 7 : i32
        %get3A_73 = arith.index_cast %get3A_72 : i32 to index
        %get3A_74 = arith.index_cast %mul3A_71 : i32 to index
        %get3A_75 = tpu.vector_load %arg8[%get3A_73, %get3A_74] {strides = array<i32>} : memref<8x1024xf32, #tpu.memory_space<vmem>>, vector<1x16xf32>,
        %get3A_76 = vector.shape_cast %get3A_75 : vector<1x16xf32> to vector<16xf32>
        %add3A_77 = arith.addf %add3A_69, %get3A_76 : vector<16xf32>
        %mul3A_78 = arith.constant 1.250000e-01 : f32
        %mul3A_79 = vector.broadcast %mul3A_78 : f32 to vector<16xf32>
        %mul3A_80 = arith.mulf %add3A_77, %mul3A_79 : vector<16xf32>
        %mul3A_81 = arith.constant 16 : i32
        %mul3A_82 = arith.muli %scan3A_17, %mul3A_81 : i32
        %swap3A = arith.index_cast %mul3A_82 : i32 to index
        %swap3A_83 = tpu.vector_load %arg9[%swap3A] {strides = array<i32>} : memref<1024xf32, #tpu.memory_space<vmem>>, vector<16xf32>,
        %swap3A_84 = vector.shape_cast %swap3A_83 : vector<16xf32> to vector<16xf32>
        %swap3A_85 = vector.shape_cast %mul3A_80 : vector<16xf32> to vector<16xf32>
        tpu.vector_store %arg9[%swap3A], %swap3A_85 {strides = array<i32>} : memref<1024xf32, #tpu.memory_space<vmem>>, vector<16xf32>,
      }
      %scan3A_16 = arith.constant 64 : i32
      "tpu.region"() ({
        %run_scoped3A = tpu.sem_alloc : memref<!tpu.dma_semaphore, #tpu.memory_space<semaphore_mem>>
        tpu.enqueue_dma source(%arg9 : memref<1024xf32, #tpu.memory_space<vmem>>) target(%arg4 : memref<1024xf32, #tpu.memory_space<hbm>>) target_semaphore(%run_scoped3A : memref<!tpu.dma_semaphore, #tpu.memory_space<semaphore_mem>>)
        tpu.wait_dma2 semaphore(%run_scoped3A : memref<!tpu.dma_semaphore, #tpu.memory_space<semaphore_mem>>) src(%arg9 : memref<1024xf32, #tpu.memory_space<vmem>>) dst(%arg4 : memref<1024xf32, #tpu.memory_space<hbm>>)
        tpu.yield
      }) : () -> ()
    } else {
    }
    return
  }
}

module attributes {stable_mosaic.version = 14 : i64} {
  func.func @_qkv_ucb_body(%arg0: i32, %arg1: memref<1x1025x384xf32, #tpu.memory_space<vmem>>, %arg2: memref<1152x384xf32, #tpu.memory_space<vmem>>, %arg3: memref<8x1025xf32, #tpu.memory_space<vmem>>, %arg4: memref<1x1xf32, #tpu.memory_space<vmem>>, %arg5: memref<1x1025x1152xf32, #tpu.memory_space<vmem>>, %arg6: memref<1x1x1024xi32, #tpu.memory_space<vmem>>) attributes {dimension_semantics = [#tpu.dimension_semantics<arbitrary>], iteration_bounds = array<i64: 8>, scalar_prefetch = 0 : i64, scratch_operands = 0 : i64, tpu.core_type = #tpu.core_type<tc>, window_params = [{transform_indices = @transform_0, window_bounds = array<i64: 1, 1025, 384>}, {pipeline_mode = #tpu.pipeline_mode<synchronous>, transform_indices = @transform_1, window_bounds = array<i64: 1152, 384>}, {pipeline_mode = #tpu.pipeline_mode<synchronous>, transform_indices = @transform_2, window_bounds = array<i64: 8, 1025>}, {pipeline_mode = #tpu.pipeline_mode<synchronous>, transform_indices = @transform_3, window_bounds = array<i64: 1, 1>}, {transform_indices = @transform_4, window_bounds = array<i64: 1, 1025, 1152>}, {transform_indices = @transform_5, window_bounds = array<i64: 1, 1, 1024>}]} {
    %get3A = arith.constant 0 : index
    %get3A_0 = arith.constant 0 : index
    %get3A_1 = arith.constant 0 : index
    %get3A_2 = vector.load %arg1[%get3A, %get3A_0, %get3A_1] : memref<1x1025x384xf32, #tpu.memory_space<vmem>>, vector<1x1025x384xf32>
    %get3A_3 = vector.shape_cast %get3A_2 : vector<1x1025x384xf32> to vector<1025x384xf32>
    %get3A_4 = arith.constant 0 : index
    %get3A_5 = arith.constant 0 : index
    %get3A_6 = vector.load %arg2[%get3A_4, %get3A_5] : memref<1152x384xf32, #tpu.memory_space<vmem>>, vector<1152x384xf32>
    %dot_general3A = arith.constant dense<0.000000e+00> : vector<1025x1152xf32>
    %dot_general3A_7 = tpu.matmul %get3A_3, %get3A_6, %dot_general3A {dimension_numbers = #tpu.dot_dimension_numbers<[1], [1], [0], [0], [0, 0, 1, 0], [], []>, transpose_lhs_hint = false} : vector<1025x384xf32>, vector<1152x384xf32>, vector<1025x1152xf32> -> vector<1025x1152xf32>
    %swap3A = arith.constant 0 : index
    %swap3A_8 = arith.constant 0 : index
    %swap3A_9 = arith.constant 0 : index
    %swap3A_10 = vector.load %arg5[%swap3A, %swap3A_8, %swap3A_9] : memref<1x1025x1152xf32, #tpu.memory_space<vmem>>, vector<1x1025x1152xf32>
    %swap3A_11 = vector.shape_cast %swap3A_10 : vector<1x1025x1152xf32> to vector<1025x1152xf32>
    %swap3A_12 = vector.shape_cast %dot_general3A_7 : vector<1025x1152xf32> to vector<1x1025x1152xf32>
    tpu.vector_store %arg5[%swap3A, %swap3A_8, %swap3A_9], %swap3A_12 {strides = array<i32>} : memref<1x1025x1152xf32, #tpu.memory_space<vmem>>, vector<1x1025x1152xf32>,
    %get3A_13 = arith.constant 0 : index
    %get3A_14 = arith.constant 0 : index
    %get3A_15 = arith.constant 0 : index
    %get3A_16 = vector.load %arg5[%get3A_13, %get3A_14, %get3A_15] : memref<1x1025x1152xf32, #tpu.memory_space<vmem>>, vector<1x1025x48xf32>
    %get3A_17 = vector.shape_cast %get3A_16 : vector<1x1025x48xf32> to vector<1025x48xf32>
    %mul3A = arith.constant 0.144337565 : f32
    %mul3A_18 = vector.broadcast %mul3A : f32 to vector<1025x48xf32>
    %mul3A_19 = arith.mulf %get3A_17, %mul3A_18 : vector<1025x48xf32>
    %get3A_20 = arith.constant 0 : index
    %get3A_21 = arith.constant 0 : index
    %get3A_22 = arith.constant 384 : index
    %get3A_23 = vector.load %arg5[%get3A_20, %get3A_21, %get3A_22] : memref<1x1025x1152xf32, #tpu.memory_space<vmem>>, vector<1x1025x48xf32>
    %get3A_24 = vector.shape_cast %get3A_23 : vector<1x1025x48xf32> to vector<1025x48xf32>
    %dot_general3A_25 = arith.constant dense<0.000000e+00> : vector<1025x1025xf32>
    %dot_general3A_26 = tpu.matmul %mul3A_19, %get3A_24, %dot_general3A_25 {dimension_numbers = #tpu.dot_dimension_numbers<[1], [1], [0], [0], [0, 0, 1, 0], [], []>, transpose_lhs_hint = false} : vector<1025x48xf32>, vector<1025x48xf32>, vector<1025x1025xf32> -> vector<1025x1025xf32>
    %exp3A = math.exp %dot_general3A_26 : vector<1025x1025xf32>
    %reduce_sum3A = arith.constant dense<0.000000e+00> : vector<1025xf32>
    %reduce_sum3A_27 = vector.multi_reduction <add>, %exp3A, %reduce_sum3A [1] : vector<1025x1025xf32> to vector<1025xf32>
    %broadcast_in_dim3A = vector.shape_cast %reduce_sum3A_27 : vector<1025xf32> to vector<1025x1xf32>
    %div3A = arith.constant 1.000000e+00 : f32
    %div3A_28 = vector.broadcast %div3A : f32 to vector<1025x1xf32>
    %div3A_29 = arith.divf %div3A_28, %broadcast_in_dim3A : vector<1025x1xf32>
    %reshape3A = vector.shape_cast %div3A_29 : vector<1025x1xf32> to vector<1x1025xf32>
    %dot_general3A_30 = arith.constant dense<0.000000e+00> : vector<1x1025xf32>
    %dot_general3A_31 = tpu.matmul %reshape3A, %exp3A, %dot_general3A_30 {dimension_numbers = #tpu.dot_dimension_numbers<[1], [0], [0], [1], [0, 0, 1, 1], [], []>, transpose_lhs_hint = false} : vector<1x1025xf32>, vector<1025x1025xf32>, vector<1x1025xf32> -> vector<1x1025xf32>
    %slice3A = vector.extract_strided_slice %dot_general3A_31 {offsets = [0, 1], sizes = [1, 1024], strides = [1, 1]} : vector<1x1025xf32> to vector<1x1024xf32>
    %mul3A_32 = arith.constant 9.75609757E-4 : f32
    %mul3A_33 = vector.broadcast %mul3A_32 : f32 to vector<1x1024xf32>
    %mul3A_34 = arith.mulf %slice3A, %mul3A_33 : vector<1x1024xf32>
    %get3A_35 = arith.constant 0 : index
    %get3A_36 = arith.constant 1 : index
    %get3A_37 = vector.load %arg3[%get3A_35, %get3A_36] : memref<8x1025xf32, #tpu.memory_space<vmem>>, vector<1x1024xf32>
    %get3A_38 = arith.constant 0 : index
    %get3A_39 = arith.constant 0 : index
    %get3A_40 = vector.load %arg4[%get3A_38, %get3A_39] : memref<1x1xf32, #tpu.memory_space<vmem>>, vector<1x1xf32>
    %get3A_41 = vector.extract %get3A_40[0, 0] : f32 from vector<1x1xf32>
    %add3A = arith.constant 9.99999997E-7 : f32
    %add3A_42 = vector.broadcast %add3A : f32 to vector<1x1024xf32>
    %add3A_43 = arith.addf %get3A_37, %add3A_42 : vector<1x1024xf32>
    %div3A_44 = vector.broadcast %get3A_41 : f32 to vector<1x1024xf32>
    %div3A_45 = arith.divf %div3A_44, %add3A_43 : vector<1x1024xf32>
    %sqrt3A = math.sqrt %div3A_45 : vector<1x1024xf32>
    %mul3A_46 = arith.constant 1.000000e+00 : f32
    %mul3A_47 = vector.broadcast %mul3A_46 : f32 to vector<1x1024xf32>
    %mul3A_48 = arith.mulf %mul3A_47, %sqrt3A : vector<1x1024xf32>
    %add3A_49 = arith.addf %mul3A_34, %mul3A_48 : vector<1x1024xf32>
    %mul3A_50 = arith.constant 1.250000e-01 : f32
    %mul3A_51 = vector.broadcast %mul3A_50 : f32 to vector<1x1024xf32>
    %mul3A_52 = arith.mulf %add3A_49, %mul3A_51 : vector<1x1024xf32>
    %get3A_53 = arith.constant 0 : index
    %get3A_54 = arith.constant 0 : index
    %get3A_55 = arith.constant 48 : index
    %get3A_56 = vector.load %arg5[%get3A_53, %get3A_54, %get3A_55] : memref<1x1025x1152xf32, #tpu.memory_space<vmem>>, vector<1x1025x48xf32>
    %get3A_57 = vector.shape_cast %get3A_56 : vector<1x1025x48xf32> to vector<1025x48xf32>
    %mul3A_58 = arith.constant 0.144337565 : f32
    %mul3A_59 = vector.broadcast %mul3A_58 : f32 to vector<1025x48xf32>
    %mul3A_60 = arith.mulf %get3A_57, %mul3A_59 : vector<1025x48xf32>
    %get3A_61 = arith.constant 0 : index
    %get3A_62 = arith.constant 0 : index
    %get3A_63 = arith.constant 432 : index
    %get3A_64 = vector.load %arg5[%get3A_61, %get3A_62, %get3A_63] : memref<1x1025x1152xf32, #tpu.memory_space<vmem>>, vector<1x1025x48xf32>
    %get3A_65 = vector.shape_cast %get3A_64 : vector<1x1025x48xf32> to vector<1025x48xf32>
    %dot_general3A_66 = arith.constant dense<0.000000e+00> : vector<1025x1025xf32>
    %dot_general3A_67 = tpu.matmul %mul3A_60, %get3A_65, %dot_general3A_66 {dimension_numbers = #tpu.dot_dimension_numbers<[1], [1], [0], [0], [0, 0, 1, 0], [], []>, transpose_lhs_hint = false} : vector<1025x48xf32>, vector<1025x48xf32>, vector<1025x1025xf32> -> vector<1025x1025xf32>
    %exp3A_68 = math.exp %dot_general3A_67 : vector<1025x1025xf32>
    %reduce_sum3A_69 = arith.constant dense<0.000000e+00> : vector<1025xf32>
    %reduce_sum3A_70 = vector.multi_reduction <add>, %exp3A_68, %reduce_sum3A_69 [1] : vector<1025x1025xf32> to vector<1025xf32>
    %broadcast_in_dim3A_71 = vector.shape_cast %reduce_sum3A_70 : vector<1025xf32> to vector<1025x1xf32>
    %div3A_72 = arith.constant 1.000000e+00 : f32
    %div3A_73 = vector.broadcast %div3A_72 : f32 to vector<1025x1xf32>
    %div3A_74 = arith.divf %div3A_73, %broadcast_in_dim3A_71 : vector<1025x1xf32>
    %reshape3A_75 = vector.shape_cast %div3A_74 : vector<1025x1xf32> to vector<1x1025xf32>
    %dot_general3A_76 = arith.constant dense<0.000000e+00> : vector<1x1025xf32>
    %dot_general3A_77 = tpu.matmul %reshape3A_75, %exp3A_68, %dot_general3A_76 {dimension_numbers = #tpu.dot_dimension_numbers<[1], [0], [0], [1], [0, 0, 1, 1], [], []>, transpose_lhs_hint = false} : vector<1x1025xf32>, vector<1025x1025xf32>, vector<1x1025xf32> -> vector<1x1025xf32>
    %slice3A_78 = vector.extract_strided_slice %dot_general3A_77 {offsets = [0, 1], sizes = [1, 1024], strides = [1, 1]} : vector<1x1025xf32> to vector<1x1024xf32>
    %mul3A_79 = arith.constant 9.75609757E-4 : f32
    %mul3A_80 = vector.broadcast %mul3A_79 : f32 to vector<1x1024xf32>
    %mul3A_81 = arith.mulf %slice3A_78, %mul3A_80 : vector<1x1024xf32>
    %get3A_82 = arith.constant 1 : index
    %get3A_83 = arith.constant 1 : index
    %get3A_84 = vector.load %arg3[%get3A_82, %get3A_83] : memref<8x1025xf32, #tpu.memory_space<vmem>>, vector<1x1024xf32>
    %get3A_85 = arith.constant 0 : index
    %get3A_86 = arith.constant 0 : index
    %get3A_87 = vector.load %arg4[%get3A_85, %get3A_86] : memref<1x1xf32, #tpu.memory_space<vmem>>, vector<1x1xf32>
    %get3A_88 = vector.extract %get3A_87[0, 0] : f32 from vector<1x1xf32>
    %add3A_89 = arith.constant 9.99999997E-7 : f32
    %add3A_90 = vector.broadcast %add3A_89 : f32 to vector<1x1024xf32>
    %add3A_91 = arith.addf %get3A_84, %add3A_90 : vector<1x1024xf32>
    %div3A_92 = vector.broadcast %get3A_88 : f32 to vector<1x1024xf32>
    %div3A_93 = arith.divf %div3A_92, %add3A_91 : vector<1x1024xf32>
    %sqrt3A_94 = math.sqrt %div3A_93 : vector<1x1024xf32>
    %mul3A_95 = arith.constant 1.000000e+00 : f32
    %mul3A_96 = vector.broadcast %mul3A_95 : f32 to vector<1x1024xf32>
    %mul3A_97 = arith.mulf %mul3A_96, %sqrt3A_94 : vector<1x1024xf32>
    %add3A_98 = arith.addf %mul3A_81, %mul3A_97 : vector<1x1024xf32>
    %mul3A_99 = arith.constant 1.250000e-01 : f32
    %mul3A_100 = vector.broadcast %mul3A_99 : f32 to vector<1x1024xf32>
    %mul3A_101 = arith.mulf %add3A_98, %mul3A_100 : vector<1x1024xf32>
    %add3A_102 = arith.addf %mul3A_52, %mul3A_101 : vector<1x1024xf32>
    %get3A_103 = arith.constant 0 : index
    %get3A_104 = arith.constant 0 : index
    %get3A_105 = arith.constant 96 : index
    %get3A_106 = vector.load %arg5[%get3A_103, %get3A_104, %get3A_105] : memref<1x1025x1152xf32, #tpu.memory_space<vmem>>, vector<1x1025x48xf32>
    %get3A_107 = vector.shape_cast %get3A_106 : vector<1x1025x48xf32> to vector<1025x48xf32>
    %mul3A_108 = arith.constant 0.144337565 : f32
    %mul3A_109 = vector.broadcast %mul3A_108 : f32 to vector<1025x48xf32>
    %mul3A_110 = arith.mulf %get3A_107, %mul3A_109 : vector<1025x48xf32>
    %get3A_111 = arith.constant 0 : index
    %get3A_112 = arith.constant 0 : index
    %get3A_113 = arith.constant 480 : index
    %get3A_114 = vector.load %arg5[%get3A_111, %get3A_112, %get3A_113] : memref<1x1025x1152xf32, #tpu.memory_space<vmem>>, vector<1x1025x48xf32>
    %get3A_115 = vector.shape_cast %get3A_114 : vector<1x1025x48xf32> to vector<1025x48xf32>
    %dot_general3A_116 = arith.constant dense<0.000000e+00> : vector<1025x1025xf32>
    %dot_general3A_117 = tpu.matmul %mul3A_110, %get3A_115, %dot_general3A_116 {dimension_numbers = #tpu.dot_dimension_numbers<[1], [1], [0], [0], [0, 0, 1, 0], [], []>, transpose_lhs_hint = false} : vector<1025x48xf32>, vector<1025x48xf32>, vector<1025x1025xf32> -> vector<1025x1025xf32>
    %exp3A_118 = math.exp %dot_general3A_117 : vector<1025x1025xf32>
    %reduce_sum3A_119 = arith.constant dense<0.000000e+00> : vector<1025xf32>
    %reduce_sum3A_120 = vector.multi_reduction <add>, %exp3A_118, %reduce_sum3A_119 [1] : vector<1025x1025xf32> to vector<1025xf32>
    %broadcast_in_dim3A_121 = vector.shape_cast %reduce_sum3A_120 : vector<1025xf32> to vector<1025x1xf32>
    %div3A_122 = arith.constant 1.000000e+00 : f32
    %div3A_123 = vector.broadcast %div3A_122 : f32 to vector<1025x1xf32>
    %div3A_124 = arith.divf %div3A_123, %broadcast_in_dim3A_121 : vector<1025x1xf32>
    %reshape3A_125 = vector.shape_cast %div3A_124 : vector<1025x1xf32> to vector<1x1025xf32>
    %dot_general3A_126 = arith.constant dense<0.000000e+00> : vector<1x1025xf32>
    %dot_general3A_127 = tpu.matmul %reshape3A_125, %exp3A_118, %dot_general3A_126 {dimension_numbers = #tpu.dot_dimension_numbers<[1], [0], [0], [1], [0, 0, 1, 1], [], []>, transpose_lhs_hint = false} : vector<1x1025xf32>, vector<1025x1025xf32>, vector<1x1025xf32> -> vector<1x1025xf32>
    %slice3A_128 = vector.extract_strided_slice %dot_general3A_127 {offsets = [0, 1], sizes = [1, 1024], strides = [1, 1]} : vector<1x1025xf32> to vector<1x1024xf32>
    %mul3A_129 = arith.constant 9.75609757E-4 : f32
    %mul3A_130 = vector.broadcast %mul3A_129 : f32 to vector<1x1024xf32>
    %mul3A_131 = arith.mulf %slice3A_128, %mul3A_130 : vector<1x1024xf32>
    %get3A_132 = arith.constant 2 : index
    %get3A_133 = arith.constant 1 : index
    %get3A_134 = vector.load %arg3[%get3A_132, %get3A_133] : memref<8x1025xf32, #tpu.memory_space<vmem>>, vector<1x1024xf32>
    %get3A_135 = arith.constant 0 : index
    %get3A_136 = arith.constant 0 : index
    %get3A_137 = vector.load %arg4[%get3A_135, %get3A_136] : memref<1x1xf32, #tpu.memory_space<vmem>>, vector<1x1xf32>
    %get3A_138 = vector.extract %get3A_137[0, 0] : f32 from vector<1x1xf32>
    %add3A_139 = arith.constant 9.99999997E-7 : f32
    %add3A_140 = vector.broadcast %add3A_139 : f32 to vector<1x1024xf32>
    %add3A_141 = arith.addf %get3A_134, %add3A_140 : vector<1x1024xf32>
    %div3A_142 = vector.broadcast %get3A_138 : f32 to vector<1x1024xf32>
    %div3A_143 = arith.divf %div3A_142, %add3A_141 : vector<1x1024xf32>
    %sqrt3A_144 = math.sqrt %div3A_143 : vector<1x1024xf32>
    %mul3A_145 = arith.constant 1.000000e+00 : f32
    %mul3A_146 = vector.broadcast %mul3A_145 : f32 to vector<1x1024xf32>
    %mul3A_147 = arith.mulf %mul3A_146, %sqrt3A_144 : vector<1x1024xf32>
    %add3A_148 = arith.addf %mul3A_131, %mul3A_147 : vector<1x1024xf32>
    %mul3A_149 = arith.constant 1.250000e-01 : f32
    %mul3A_150 = vector.broadcast %mul3A_149 : f32 to vector<1x1024xf32>
    %mul3A_151 = arith.mulf %add3A_148, %mul3A_150 : vector<1x1024xf32>
    %add3A_152 = arith.addf %add3A_102, %mul3A_151 : vector<1x1024xf32>
    %get3A_153 = arith.constant 0 : index
    %get3A_154 = arith.constant 0 : index
    %get3A_155 = arith.constant 144 : index
    %get3A_156 = vector.load %arg5[%get3A_153, %get3A_154, %get3A_155] : memref<1x1025x1152xf32, #tpu.memory_space<vmem>>, vector<1x1025x48xf32>
    %get3A_157 = vector.shape_cast %get3A_156 : vector<1x1025x48xf32> to vector<1025x48xf32>
    %mul3A_158 = arith.constant 0.144337565 : f32
    %mul3A_159 = vector.broadcast %mul3A_158 : f32 to vector<1025x48xf32>
    %mul3A_160 = arith.mulf %get3A_157, %mul3A_159 : vector<1025x48xf32>
    %get3A_161 = arith.constant 0 : index
    %get3A_162 = arith.constant 0 : index
    %get3A_163 = arith.constant 528 : index
    %get3A_164 = vector.load %arg5[%get3A_161, %get3A_162, %get3A_163] : memref<1x1025x1152xf32, #tpu.memory_space<vmem>>, vector<1x1025x48xf32>
    %get3A_165 = vector.shape_cast %get3A_164 : vector<1x1025x48xf32> to vector<1025x48xf32>
    %dot_general3A_166 = arith.constant dense<0.000000e+00> : vector<1025x1025xf32>
    %dot_general3A_167 = tpu.matmul %mul3A_160, %get3A_165, %dot_general3A_166 {dimension_numbers = #tpu.dot_dimension_numbers<[1], [1], [0], [0], [0, 0, 1, 0], [], []>, transpose_lhs_hint = false} : vector<1025x48xf32>, vector<1025x48xf32>, vector<1025x1025xf32> -> vector<1025x1025xf32>
    %exp3A_168 = math.exp %dot_general3A_167 : vector<1025x1025xf32>
    %reduce_sum3A_169 = arith.constant dense<0.000000e+00> : vector<1025xf32>
    %reduce_sum3A_170 = vector.multi_reduction <add>, %exp3A_168, %reduce_sum3A_169 [1] : vector<1025x1025xf32> to vector<1025xf32>
    %broadcast_in_dim3A_171 = vector.shape_cast %reduce_sum3A_170 : vector<1025xf32> to vector<1025x1xf32>
    %div3A_172 = arith.constant 1.000000e+00 : f32
    %div3A_173 = vector.broadcast %div3A_172 : f32 to vector<1025x1xf32>
    %div3A_174 = arith.divf %div3A_173, %broadcast_in_dim3A_171 : vector<1025x1xf32>
    %reshape3A_175 = vector.shape_cast %div3A_174 : vector<1025x1xf32> to vector<1x1025xf32>
    %dot_general3A_176 = arith.constant dense<0.000000e+00> : vector<1x1025xf32>
    %dot_general3A_177 = tpu.matmul %reshape3A_175, %exp3A_168, %dot_general3A_176 {dimension_numbers = #tpu.dot_dimension_numbers<[1], [0], [0], [1], [0, 0, 1, 1], [], []>, transpose_lhs_hint = false} : vector<1x1025xf32>, vector<1025x1025xf32>, vector<1x1025xf32> -> vector<1x1025xf32>
    %slice3A_178 = vector.extract_strided_slice %dot_general3A_177 {offsets = [0, 1], sizes = [1, 1024], strides = [1, 1]} : vector<1x1025xf32> to vector<1x1024xf32>
    %mul3A_179 = arith.constant 9.75609757E-4 : f32
    %mul3A_180 = vector.broadcast %mul3A_179 : f32 to vector<1x1024xf32>
    %mul3A_181 = arith.mulf %slice3A_178, %mul3A_180 : vector<1x1024xf32>
    %get3A_182 = arith.constant 3 : index
    %get3A_183 = arith.constant 1 : index
    %get3A_184 = vector.load %arg3[%get3A_182, %get3A_183] : memref<8x1025xf32, #tpu.memory_space<vmem>>, vector<1x1024xf32>
    %get3A_185 = arith.constant 0 : index
    %get3A_186 = arith.constant 0 : index
    %get3A_187 = vector.load %arg4[%get3A_185, %get3A_186] : memref<1x1xf32, #tpu.memory_space<vmem>>, vector<1x1xf32>
    %get3A_188 = vector.extract %get3A_187[0, 0] : f32 from vector<1x1xf32>
    %add3A_189 = arith.constant 9.99999997E-7 : f32
    %add3A_190 = vector.broadcast %add3A_189 : f32 to vector<1x1024xf32>
    %add3A_191 = arith.addf %get3A_184, %add3A_190 : vector<1x1024xf32>
    %div3A_192 = vector.broadcast %get3A_188 : f32 to vector<1x1024xf32>
    %div3A_193 = arith.divf %div3A_192, %add3A_191 : vector<1x1024xf32>
    %sqrt3A_194 = math.sqrt %div3A_193 : vector<1x1024xf32>
    %mul3A_195 = arith.constant 1.000000e+00 : f32
    %mul3A_196 = vector.broadcast %mul3A_195 : f32 to vector<1x1024xf32>
    %mul3A_197 = arith.mulf %mul3A_196, %sqrt3A_194 : vector<1x1024xf32>
    %add3A_198 = arith.addf %mul3A_181, %mul3A_197 : vector<1x1024xf32>
    %mul3A_199 = arith.constant 1.250000e-01 : f32
    %mul3A_200 = vector.broadcast %mul3A_199 : f32 to vector<1x1024xf32>
    %mul3A_201 = arith.mulf %add3A_198, %mul3A_200 : vector<1x1024xf32>
    %add3A_202 = arith.addf %add3A_152, %mul3A_201 : vector<1x1024xf32>
    %get3A_203 = arith.constant 0 : index
    %get3A_204 = arith.constant 0 : index
    %get3A_205 = arith.constant 192 : index
    %get3A_206 = vector.load %arg5[%get3A_203, %get3A_204, %get3A_205] : memref<1x1025x1152xf32, #tpu.memory_space<vmem>>, vector<1x1025x48xf32>
    %get3A_207 = vector.shape_cast %get3A_206 : vector<1x1025x48xf32> to vector<1025x48xf32>
    %mul3A_208 = arith.constant 0.144337565 : f32
    %mul3A_209 = vector.broadcast %mul3A_208 : f32 to vector<1025x48xf32>
    %mul3A_210 = arith.mulf %get3A_207, %mul3A_209 : vector<1025x48xf32>
    %get3A_211 = arith.constant 0 : index
    %get3A_212 = arith.constant 0 : index
    %get3A_213 = arith.constant 576 : index
    %get3A_214 = vector.load %arg5[%get3A_211, %get3A_212, %get3A_213] : memref<1x1025x1152xf32, #tpu.memory_space<vmem>>, vector<1x1025x48xf32>
    %get3A_215 = vector.shape_cast %get3A_214 : vector<1x1025x48xf32> to vector<1025x48xf32>
    %dot_general3A_216 = arith.constant dense<0.000000e+00> : vector<1025x1025xf32>
    %dot_general3A_217 = tpu.matmul %mul3A_210, %get3A_215, %dot_general3A_216 {dimension_numbers = #tpu.dot_dimension_numbers<[1], [1], [0], [0], [0, 0, 1, 0], [], []>, transpose_lhs_hint = false} : vector<1025x48xf32>, vector<1025x48xf32>, vector<1025x1025xf32> -> vector<1025x1025xf32>
    %exp3A_218 = math.exp %dot_general3A_217 : vector<1025x1025xf32>
    %reduce_sum3A_219 = arith.constant dense<0.000000e+00> : vector<1025xf32>
    %reduce_sum3A_220 = vector.multi_reduction <add>, %exp3A_218, %reduce_sum3A_219 [1] : vector<1025x1025xf32> to vector<1025xf32>
    %broadcast_in_dim3A_221 = vector.shape_cast %reduce_sum3A_220 : vector<1025xf32> to vector<1025x1xf32>
    %div3A_222 = arith.constant 1.000000e+00 : f32
    %div3A_223 = vector.broadcast %div3A_222 : f32 to vector<1025x1xf32>
    %div3A_224 = arith.divf %div3A_223, %broadcast_in_dim3A_221 : vector<1025x1xf32>
    %reshape3A_225 = vector.shape_cast %div3A_224 : vector<1025x1xf32> to vector<1x1025xf32>
    %dot_general3A_226 = arith.constant dense<0.000000e+00> : vector<1x1025xf32>
    %dot_general3A_227 = tpu.matmul %reshape3A_225, %exp3A_218, %dot_general3A_226 {dimension_numbers = #tpu.dot_dimension_numbers<[1], [0], [0], [1], [0, 0, 1, 1], [], []>, transpose_lhs_hint = false} : vector<1x1025xf32>, vector<1025x1025xf32>, vector<1x1025xf32> -> vector<1x1025xf32>
    %slice3A_228 = vector.extract_strided_slice %dot_general3A_227 {offsets = [0, 1], sizes = [1, 1024], strides = [1, 1]} : vector<1x1025xf32> to vector<1x1024xf32>
    %mul3A_229 = arith.constant 9.75609757E-4 : f32
    %mul3A_230 = vector.broadcast %mul3A_229 : f32 to vector<1x1024xf32>
    %mul3A_231 = arith.mulf %slice3A_228, %mul3A_230 : vector<1x1024xf32>
    %get3A_232 = arith.constant 4 : index
    %get3A_233 = arith.constant 1 : index
    %get3A_234 = vector.load %arg3[%get3A_232, %get3A_233] : memref<8x1025xf32, #tpu.memory_space<vmem>>, vector<1x1024xf32>
    %get3A_235 = arith.constant 0 : index
    %get3A_236 = arith.constant 0 : index
    %get3A_237 = vector.load %arg4[%get3A_235, %get3A_236] : memref<1x1xf32, #tpu.memory_space<vmem>>, vector<1x1xf32>
    %get3A_238 = vector.extract %get3A_237[0, 0] : f32 from vector<1x1xf32>
    %add3A_239 = arith.constant 9.99999997E-7 : f32
    %add3A_240 = vector.broadcast %add3A_239 : f32 to vector<1x1024xf32>
    %add3A_241 = arith.addf %get3A_234, %add3A_240 : vector<1x1024xf32>
    %div3A_242 = vector.broadcast %get3A_238 : f32 to vector<1x1024xf32>
    %div3A_243 = arith.divf %div3A_242, %add3A_241 : vector<1x1024xf32>
    %sqrt3A_244 = math.sqrt %div3A_243 : vector<1x1024xf32>
    %mul3A_245 = arith.constant 1.000000e+00 : f32
    %mul3A_246 = vector.broadcast %mul3A_245 : f32 to vector<1x1024xf32>
    %mul3A_247 = arith.mulf %mul3A_246, %sqrt3A_244 : vector<1x1024xf32>
    %add3A_248 = arith.addf %mul3A_231, %mul3A_247 : vector<1x1024xf32>
    %mul3A_249 = arith.constant 1.250000e-01 : f32
    %mul3A_250 = vector.broadcast %mul3A_249 : f32 to vector<1x1024xf32>
    %mul3A_251 = arith.mulf %add3A_248, %mul3A_250 : vector<1x1024xf32>
    %add3A_252 = arith.addf %add3A_202, %mul3A_251 : vector<1x1024xf32>
    %get3A_253 = arith.constant 0 : index
    %get3A_254 = arith.constant 0 : index
    %get3A_255 = arith.constant 240 : index
    %get3A_256 = vector.load %arg5[%get3A_253, %get3A_254, %get3A_255] : memref<1x1025x1152xf32, #tpu.memory_space<vmem>>, vector<1x1025x48xf32>
    %get3A_257 = vector.shape_cast %get3A_256 : vector<1x1025x48xf32> to vector<1025x48xf32>
    %mul3A_258 = arith.constant 0.144337565 : f32
    %mul3A_259 = vector.broadcast %mul3A_258 : f32 to vector<1025x48xf32>
    %mul3A_260 = arith.mulf %get3A_257, %mul3A_259 : vector<1025x48xf32>
    %get3A_261 = arith.constant 0 : index
    %get3A_262 = arith.constant 0 : index
    %get3A_263 = arith.constant 624 : index
    %get3A_264 = vector.load %arg5[%get3A_261, %get3A_262, %get3A_263] : memref<1x1025x1152xf32, #tpu.memory_space<vmem>>, vector<1x1025x48xf32>
    %get3A_265 = vector.shape_cast %get3A_264 : vector<1x1025x48xf32> to vector<1025x48xf32>
    %dot_general3A_266 = arith.constant dense<0.000000e+00> : vector<1025x1025xf32>
    %dot_general3A_267 = tpu.matmul %mul3A_260, %get3A_265, %dot_general3A_266 {dimension_numbers = #tpu.dot_dimension_numbers<[1], [1], [0], [0], [0, 0, 1, 0], [], []>, transpose_lhs_hint = false} : vector<1025x48xf32>, vector<1025x48xf32>, vector<1025x1025xf32> -> vector<1025x1025xf32>
    %exp3A_268 = math.exp %dot_general3A_267 : vector<1025x1025xf32>
    %reduce_sum3A_269 = arith.constant dense<0.000000e+00> : vector<1025xf32>
    %reduce_sum3A_270 = vector.multi_reduction <add>, %exp3A_268, %reduce_sum3A_269 [1] : vector<1025x1025xf32> to vector<1025xf32>
    %broadcast_in_dim3A_271 = vector.shape_cast %reduce_sum3A_270 : vector<1025xf32> to vector<1025x1xf32>
    %div3A_272 = arith.constant 1.000000e+00 : f32
    %div3A_273 = vector.broadcast %div3A_272 : f32 to vector<1025x1xf32>
    %div3A_274 = arith.divf %div3A_273, %broadcast_in_dim3A_271 : vector<1025x1xf32>
    %reshape3A_275 = vector.shape_cast %div3A_274 : vector<1025x1xf32> to vector<1x1025xf32>
    %dot_general3A_276 = arith.constant dense<0.000000e+00> : vector<1x1025xf32>
    %dot_general3A_277 = tpu.matmul %reshape3A_275, %exp3A_268, %dot_general3A_276 {dimension_numbers = #tpu.dot_dimension_numbers<[1], [0], [0], [1], [0, 0, 1, 1], [], []>, transpose_lhs_hint = false} : vector<1x1025xf32>, vector<1025x1025xf32>, vector<1x1025xf32> -> vector<1x1025xf32>
    %slice3A_278 = vector.extract_strided_slice %dot_general3A_277 {offsets = [0, 1], sizes = [1, 1024], strides = [1, 1]} : vector<1x1025xf32> to vector<1x1024xf32>
    %mul3A_279 = arith.constant 9.75609757E-4 : f32
    %mul3A_280 = vector.broadcast %mul3A_279 : f32 to vector<1x1024xf32>
    %mul3A_281 = arith.mulf %slice3A_278, %mul3A_280 : vector<1x1024xf32>
    %get3A_282 = arith.constant 5 : index
    %get3A_283 = arith.constant 1 : index
    %get3A_284 = vector.load %arg3[%get3A_282, %get3A_283] : memref<8x1025xf32, #tpu.memory_space<vmem>>, vector<1x1024xf32>
    %get3A_285 = arith.constant 0 : index
    %get3A_286 = arith.constant 0 : index
    %get3A_287 = vector.load %arg4[%get3A_285, %get3A_286] : memref<1x1xf32, #tpu.memory_space<vmem>>, vector<1x1xf32>
    %get3A_288 = vector.extract %get3A_287[0, 0] : f32 from vector<1x1xf32>
    %add3A_289 = arith.constant 9.99999997E-7 : f32
    %add3A_290 = vector.broadcast %add3A_289 : f32 to vector<1x1024xf32>
    %add3A_291 = arith.addf %get3A_284, %add3A_290 : vector<1x1024xf32>
    %div3A_292 = vector.broadcast %get3A_288 : f32 to vector<1x1024xf32>
    %div3A_293 = arith.divf %div3A_292, %add3A_291 : vector<1x1024xf32>
    %sqrt3A_294 = math.sqrt %div3A_293 : vector<1x1024xf32>
    %mul3A_295 = arith.constant 1.000000e+00 : f32
    %mul3A_296 = vector.broadcast %mul3A_295 : f32 to vector<1x1024xf32>
    %mul3A_297 = arith.mulf %mul3A_296, %sqrt3A_294 : vector<1x1024xf32>
    %add3A_298 = arith.addf %mul3A_281, %mul3A_297 : vector<1x1024xf32>
    %mul3A_299 = arith.constant 1.250000e-01 : f32
    %mul3A_300 = vector.broadcast %mul3A_299 : f32 to vector<1x1024xf32>
    %mul3A_301 = arith.mulf %add3A_298, %mul3A_300 : vector<1x1024xf32>
    %add3A_302 = arith.addf %add3A_252, %mul3A_301 : vector<1x1024xf32>
    %get3A_303 = arith.constant 0 : index
    %get3A_304 = arith.constant 0 : index
    %get3A_305 = arith.constant 288 : index
    %get3A_306 = vector.load %arg5[%get3A_303, %get3A_304, %get3A_305] : memref<1x1025x1152xf32, #tpu.memory_space<vmem>>, vector<1x1025x48xf32>
    %get3A_307 = vector.shape_cast %get3A_306 : vector<1x1025x48xf32> to vector<1025x48xf32>
    %mul3A_308 = arith.constant 0.144337565 : f32
    %mul3A_309 = vector.broadcast %mul3A_308 : f32 to vector<1025x48xf32>
    %mul3A_310 = arith.mulf %get3A_307, %mul3A_309 : vector<1025x48xf32>
    %get3A_311 = arith.constant 0 : index
    %get3A_312 = arith.constant 0 : index
    %get3A_313 = arith.constant 672 : index
    %get3A_314 = vector.load %arg5[%get3A_311, %get3A_312, %get3A_313] : memref<1x1025x1152xf32, #tpu.memory_space<vmem>>, vector<1x1025x48xf32>
    %get3A_315 = vector.shape_cast %get3A_314 : vector<1x1025x48xf32> to vector<1025x48xf32>
    %dot_general3A_316 = arith.constant dense<0.000000e+00> : vector<1025x1025xf32>
    %dot_general3A_317 = tpu.matmul %mul3A_310, %get3A_315, %dot_general3A_316 {dimension_numbers = #tpu.dot_dimension_numbers<[1], [1], [0], [0], [0, 0, 1, 0], [], []>, transpose_lhs_hint = false} : vector<1025x48xf32>, vector<1025x48xf32>, vector<1025x1025xf32> -> vector<1025x1025xf32>
    %exp3A_318 = math.exp %dot_general3A_317 : vector<1025x1025xf32>
    %reduce_sum3A_319 = arith.constant dense<0.000000e+00> : vector<1025xf32>
    %reduce_sum3A_320 = vector.multi_reduction <add>, %exp3A_318, %reduce_sum3A_319 [1] : vector<1025x1025xf32> to vector<1025xf32>
    %broadcast_in_dim3A_321 = vector.shape_cast %reduce_sum3A_320 : vector<1025xf32> to vector<1025x1xf32>
    %div3A_322 = arith.constant 1.000000e+00 : f32
    %div3A_323 = vector.broadcast %div3A_322 : f32 to vector<1025x1xf32>
    %div3A_324 = arith.divf %div3A_323, %broadcast_in_dim3A_321 : vector<1025x1xf32>
    %reshape3A_325 = vector.shape_cast %div3A_324 : vector<1025x1xf32> to vector<1x1025xf32>
    %dot_general3A_326 = arith.constant dense<0.000000e+00> : vector<1x1025xf32>
    %dot_general3A_327 = tpu.matmul %reshape3A_325, %exp3A_318, %dot_general3A_326 {dimension_numbers = #tpu.dot_dimension_numbers<[1], [0], [0], [1], [0, 0, 1, 1], [], []>, transpose_lhs_hint = false} : vector<1x1025xf32>, vector<1025x1025xf32>, vector<1x1025xf32> -> vector<1x1025xf32>
    %slice3A_328 = vector.extract_strided_slice %dot_general3A_327 {offsets = [0, 1], sizes = [1, 1024], strides = [1, 1]} : vector<1x1025xf32> to vector<1x1024xf32>
    %mul3A_329 = arith.constant 9.75609757E-4 : f32
    %mul3A_330 = vector.broadcast %mul3A_329 : f32 to vector<1x1024xf32>
    %mul3A_331 = arith.mulf %slice3A_328, %mul3A_330 : vector<1x1024xf32>
    %get3A_332 = arith.constant 6 : index
    %get3A_333 = arith.constant 1 : index
    %get3A_334 = vector.load %arg3[%get3A_332, %get3A_333] : memref<8x1025xf32, #tpu.memory_space<vmem>>, vector<1x1024xf32>
    %get3A_335 = arith.constant 0 : index
    %get3A_336 = arith.constant 0 : index
    %get3A_337 = vector.load %arg4[%get3A_335, %get3A_336] : memref<1x1xf32, #tpu.memory_space<vmem>>, vector<1x1xf32>
    %get3A_338 = vector.extract %get3A_337[0, 0] : f32 from vector<1x1xf32>
    %add3A_339 = arith.constant 9.99999997E-7 : f32
    %add3A_340 = vector.broadcast %add3A_339 : f32 to vector<1x1024xf32>
    %add3A_341 = arith.addf %get3A_334, %add3A_340 : vector<1x1024xf32>
    %div3A_342 = vector.broadcast %get3A_338 : f32 to vector<1x1024xf32>
    %div3A_343 = arith.divf %div3A_342, %add3A_341 : vector<1x1024xf32>
    %sqrt3A_344 = math.sqrt %div3A_343 : vector<1x1024xf32>
    %mul3A_345 = arith.constant 1.000000e+00 : f32
    %mul3A_346 = vector.broadcast %mul3A_345 : f32 to vector<1x1024xf32>
    %mul3A_347 = arith.mulf %mul3A_346, %sqrt3A_344 : vector<1x1024xf32>
    %add3A_348 = arith.addf %mul3A_331, %mul3A_347 : vector<1x1024xf32>
    %mul3A_349 = arith.constant 1.250000e-01 : f32
    %mul3A_350 = vector.broadcast %mul3A_349 : f32 to vector<1x1024xf32>
    %mul3A_351 = arith.mulf %add3A_348, %mul3A_350 : vector<1x1024xf32>
    %add3A_352 = arith.addf %add3A_302, %mul3A_351 : vector<1x1024xf32>
    %get3A_353 = arith.constant 0 : index
    %get3A_354 = arith.constant 0 : index
    %get3A_355 = arith.constant 336 : index
    %get3A_356 = vector.load %arg5[%get3A_353, %get3A_354, %get3A_355] : memref<1x1025x1152xf32, #tpu.memory_space<vmem>>, vector<1x1025x48xf32>
    %get3A_357 = vector.shape_cast %get3A_356 : vector<1x1025x48xf32> to vector<1025x48xf32>
    %mul3A_358 = arith.constant 0.144337565 : f32
    %mul3A_359 = vector.broadcast %mul3A_358 : f32 to vector<1025x48xf32>
    %mul3A_360 = arith.mulf %get3A_357, %mul3A_359 : vector<1025x48xf32>
    %get3A_361 = arith.constant 0 : index
    %get3A_362 = arith.constant 0 : index
    %get3A_363 = arith.constant 720 : index
    %get3A_364 = vector.load %arg5[%get3A_361, %get3A_362, %get3A_363] : memref<1x1025x1152xf32, #tpu.memory_space<vmem>>, vector<1x1025x48xf32>
    %get3A_365 = vector.shape_cast %get3A_364 : vector<1x1025x48xf32> to vector<1025x48xf32>
    %dot_general3A_366 = arith.constant dense<0.000000e+00> : vector<1025x1025xf32>
    %dot_general3A_367 = tpu.matmul %mul3A_360, %get3A_365, %dot_general3A_366 {dimension_numbers = #tpu.dot_dimension_numbers<[1], [1], [0], [0], [0, 0, 1, 0], [], []>, transpose_lhs_hint = false} : vector<1025x48xf32>, vector<1025x48xf32>, vector<1025x1025xf32> -> vector<1025x1025xf32>
    %exp3A_368 = math.exp %dot_general3A_367 : vector<1025x1025xf32>
    %reduce_sum3A_369 = arith.constant dense<0.000000e+00> : vector<1025xf32>
    %reduce_sum3A_370 = vector.multi_reduction <add>, %exp3A_368, %reduce_sum3A_369 [1] : vector<1025x1025xf32> to vector<1025xf32>
    %broadcast_in_dim3A_371 = vector.shape_cast %reduce_sum3A_370 : vector<1025xf32> to vector<1025x1xf32>
    %div3A_372 = arith.constant 1.000000e+00 : f32
    %div3A_373 = vector.broadcast %div3A_372 : f32 to vector<1025x1xf32>
    %div3A_374 = arith.divf %div3A_373, %broadcast_in_dim3A_371 : vector<1025x1xf32>
    %reshape3A_375 = vector.shape_cast %div3A_374 : vector<1025x1xf32> to vector<1x1025xf32>
    %dot_general3A_376 = arith.constant dense<0.000000e+00> : vector<1x1025xf32>
    %dot_general3A_377 = tpu.matmul %reshape3A_375, %exp3A_368, %dot_general3A_376 {dimension_numbers = #tpu.dot_dimension_numbers<[1], [0], [0], [1], [0, 0, 1, 1], [], []>, transpose_lhs_hint = false} : vector<1x1025xf32>, vector<1025x1025xf32>, vector<1x1025xf32> -> vector<1x1025xf32>
    %slice3A_378 = vector.extract_strided_slice %dot_general3A_377 {offsets = [0, 1], sizes = [1, 1024], strides = [1, 1]} : vector<1x1025xf32> to vector<1x1024xf32>
    %mul3A_379 = arith.constant 9.75609757E-4 : f32
    %mul3A_380 = vector.broadcast %mul3A_379 : f32 to vector<1x1024xf32>
    %mul3A_381 = arith.mulf %slice3A_378, %mul3A_380 : vector<1x1024xf32>
    %get3A_382 = arith.constant 7 : index
    %get3A_383 = arith.constant 1 : index
    %get3A_384 = vector.load %arg3[%get3A_382, %get3A_383] : memref<8x1025xf32, #tpu.memory_space<vmem>>, vector<1x1024xf32>
    %get3A_385 = arith.constant 0 : index
    %get3A_386 = arith.constant 0 : index
    %get3A_387 = vector.load %arg4[%get3A_385, %get3A_386] : memref<1x1xf32, #tpu.memory_space<vmem>>, vector<1x1xf32>
    %get3A_388 = vector.extract %get3A_387[0, 0] : f32 from vector<1x1xf32>
    %add3A_389 = arith.constant 9.99999997E-7 : f32
    %add3A_390 = vector.broadcast %add3A_389 : f32 to vector<1x1024xf32>
    %add3A_391 = arith.addf %get3A_384, %add3A_390 : vector<1x1024xf32>
    %div3A_392 = vector.broadcast %get3A_388 : f32 to vector<1x1024xf32>
    %div3A_393 = arith.divf %div3A_392, %add3A_391 : vector<1x1024xf32>
    %sqrt3A_394 = math.sqrt %div3A_393 : vector<1x1024xf32>
    %mul3A_395 = arith.constant 1.000000e+00 : f32
    %mul3A_396 = vector.broadcast %mul3A_395 : f32 to vector<1x1024xf32>
    %mul3A_397 = arith.mulf %mul3A_396, %sqrt3A_394 : vector<1x1024xf32>
    %add3A_398 = arith.addf %mul3A_381, %mul3A_397 : vector<1x1024xf32>
    %mul3A_399 = arith.constant 1.250000e-01 : f32
    %mul3A_400 = vector.broadcast %mul3A_399 : f32 to vector<1x1024xf32>
    %mul3A_401 = arith.mulf %add3A_398, %mul3A_400 : vector<1x1024xf32>
    %add3A_402 = arith.addf %add3A_352, %mul3A_401 : vector<1x1024xf32>
    %bitcast_convert_type3A = tpu.bitcast %add3A_402 : vector<1x1024xf32> -> vector<1x1024xi32>
    %swap3A_403 = arith.constant 0 : index
    %swap3A_404 = arith.constant 0 : index
    %swap3A_405 = arith.constant 0 : index
    %swap3A_406 = vector.load %arg6[%swap3A_403, %swap3A_404, %swap3A_405] : memref<1x1x1024xi32, #tpu.memory_space<vmem>>, vector<1x1x1024xi32>
    %swap3A_407 = vector.shape_cast %swap3A_406 : vector<1x1x1024xi32> to vector<1x1024xi32>
    %swap3A_408 = vector.shape_cast %bitcast_convert_type3A : vector<1x1024xi32> to vector<1x1x1024xi32>
    tpu.vector_store %arg6[%swap3A_403, %swap3A_404, %swap3A_405], %swap3A_408 {strides = array<i32>} : memref<1x1x1024xi32, #tpu.memory_space<vmem>>, vector<1x1x1024xi32>,
    return
  }
  func.func @transform_0(%arg0: i32) -> (i32, i32, i32) {
    %c0_i32 = arith.constant 0 : i32
    %c0_i32_0 = arith.constant 0 : i32
    %c0_i32_1 = arith.constant 0 : i32
    return %arg0, %c0_i32, %c0_i32_0 : i32, i32, i32
  }
  func.func @transform_1(%arg0: i32) -> (i32, i32) {
    %c0_i32 = arith.constant 0 : i32
    %c0_i32_0 = arith.constant 0 : i32
    %c0_i32_1 = arith.constant 0 : i32
    return %c0_i32, %c0_i32_0 : i32, i32
  }
  func.func @transform_2(%arg0: i32) -> (i32, i32) {
    %c0_i32 = arith.constant 0 : i32
    %c0_i32_0 = arith.constant 0 : i32
    %c0_i32_1 = arith.constant 0 : i32
    return %c0_i32, %c0_i32_0 : i32, i32
  }
  func.func @transform_3(%arg0: i32) -> (i32, i32) {
    %c0_i32 = arith.constant 0 : i32
    %c0_i32_0 = arith.constant 0 : i32
    %c0_i32_1 = arith.constant 0 : i32
    return %c0_i32, %c0_i32_0 : i32, i32
  }
  func.func @transform_4(%arg0: i32) -> (i32, i32, i32) {
    %c0_i32 = arith.constant 0 : i32
    %c0_i32_0 = arith.constant 0 : i32
    %c0_i32_1 = arith.constant 0 : i32
    return %arg0, %c0_i32, %c0_i32_0 : i32, i32, i32
  }
  func.func @transform_5(%arg0: i32) -> (i32, i32, i32) {
    %c0_i32 = arith.constant 0 : i32
    %c0_i32_0 = arith.constant 0 : i32
    %c0_i32_1 = arith.constant 0 : i32
    return %arg0, %c0_i32, %c0_i32_0 : i32, i32, i32
  }
}

module attributes {stable_mosaic.version = 14 : i64} {
  func.func @_attn_body(%arg0: i32, %arg1: memref<1x1025x1152xf32, #tpu.memory_space<vmem>>, %arg2: memref<1x1x1025xf32, #tpu.memory_space<vmem>>, %arg3: memref<8x48x384xf32, #tpu.memory_space<vmem>>, %arg4: memref<1x384xf32, #tpu.memory_space<vmem>>, %arg5: memref<1x1025x384xf32, #tpu.memory_space<vmem>>) attributes {dimension_semantics = [#tpu.dimension_semantics<arbitrary>], iteration_bounds = array<i64: 8>, scalar_prefetch = 0 : i64, scratch_operands = 0 : i64, tpu.core_type = #tpu.core_type<tc>, window_params = [{transform_indices = @transform_0, window_bounds = array<i64: 1, 1025, 1152>}, {transform_indices = @transform_1, window_bounds = array<i64: 1, 1, 1025>}, {pipeline_mode = #tpu.pipeline_mode<synchronous>, transform_indices = @transform_2, window_bounds = array<i64: 8, 48, 384>}, {pipeline_mode = #tpu.pipeline_mode<synchronous>, transform_indices = @transform_3, window_bounds = array<i64: 1, 384>}, {transform_indices = @transform_4, window_bounds = array<i64: 1, 1025, 384>}]} {
    %get3A = arith.constant 0 : index
    %get3A_0 = arith.constant 0 : index
    %get3A_1 = arith.constant 0 : index
    %get3A_2 = vector.load %arg2[%get3A, %get3A_0, %get3A_1] : memref<1x1x1025xf32, #tpu.memory_space<vmem>>, vector<1x1x1025xf32>
    %get3A_3 = vector.shape_cast %get3A_2 : vector<1x1x1025xf32> to vector<1x1025xf32>
    %reshape3A = vector.shape_cast %get3A_3 : vector<1x1025xf32> to vector<1025x1xf32>
    %convert_element_type3A = arith.truncf %reshape3A : vector<1025x1xf32> to vector<1025x1xbf16>
    %broadcast_in_dim3A = arith.constant 1.000000e+00 : bf16
    %broadcast_in_dim3A_4 = vector.broadcast %broadcast_in_dim3A : bf16 to vector<1025x1xbf16>
    %get3A_5 = arith.constant 0 : index
    %get3A_6 = arith.constant 0 : index
    %get3A_7 = arith.constant 0 : index
    %get3A_8 = vector.load %arg1[%get3A_5, %get3A_6, %get3A_7] : memref<1x1025x1152xf32, #tpu.memory_space<vmem>>, vector<1x1025x48xf32>
    %get3A_9 = vector.shape_cast %get3A_8 : vector<1x1025x48xf32> to vector<1025x48xf32>
    %mul3A = arith.constant 0.144337565 : f32
    %mul3A_10 = vector.broadcast %mul3A : f32 to vector<1025x48xf32>
    %mul3A_11 = arith.mulf %get3A_9, %mul3A_10 : vector<1025x48xf32>
    %convert_element_type3A_12 = arith.truncf %mul3A_11 : vector<1025x48xf32> to vector<1025x48xbf16>
    %get3A_13 = arith.constant 0 : index
    %get3A_14 = arith.constant 0 : index
    %get3A_15 = arith.constant 384 : index
    %get3A_16 = vector.load %arg1[%get3A_13, %get3A_14, %get3A_15] : memref<1x1025x1152xf32, #tpu.memory_space<vmem>>, vector<1x1025x48xf32>
    %get3A_17 = vector.shape_cast %get3A_16 : vector<1x1025x48xf32> to vector<1025x48xf32>
    %convert_element_type3A_18 = arith.truncf %get3A_17 : vector<1025x48xf32> to vector<1025x48xbf16>
    %get3A_19 = arith.constant 0 : index
    %get3A_20 = arith.constant 0 : index
    %get3A_21 = arith.constant 768 : index
    %get3A_22 = vector.load %arg1[%get3A_19, %get3A_20, %get3A_21] : memref<1x1025x1152xf32, #tpu.memory_space<vmem>>, vector<1x1025x48xf32>
    %get3A_23 = vector.shape_cast %get3A_22 : vector<1x1025x48xf32> to vector<1025x48xf32>
    %convert_element_type3A_24 = arith.truncf %get3A_23 : vector<1025x48xf32> to vector<1025x48xbf16>
    %concatenate3A = tpu.concatenate %convert_element_type3A_24, %broadcast_in_dim3A_4 in 1 : vector<1025x48xbf16>, vector<1025x1xbf16> -> vector<1025x49xbf16>
    %mul3A_25 = vector.broadcast %convert_element_type3A : vector<1025x1xbf16> to vector<1025x49xbf16>
    %mul3A_26 = arith.mulf %concatenate3A, %mul3A_25 : vector<1025x49xbf16>
    %dot_general3A = arith.constant dense<0.000000e+00> : vector<1025x1025xf32>
    %dot_general3A_27 = tpu.matmul %convert_element_type3A_12, %convert_element_type3A_18, %dot_general3A {dimension_numbers = #tpu.dot_dimension_numbers<[1], [1], [0], [0], [0, 0, 1, 0], [], []>, transpose_lhs_hint = false} : vector<1025x48xbf16>, vector<1025x48xbf16>, vector<1025x1025xf32> -> vector<1025x1025xf32>
    %convert_element_type3A_28 = arith.truncf %dot_general3A_27 : vector<1025x1025xf32> to vector<1025x1025xbf16>
    %exp3A = math.exp %convert_element_type3A_28 : vector<1025x1025xbf16>
    %dot_general3A_29 = arith.constant dense<0.000000e+00> : vector<1025x49xf32>
    %dot_general3A_30 = tpu.matmul %exp3A, %concatenate3A, %dot_general3A_29 {dimension_numbers = #tpu.dot_dimension_numbers<[1], [0], [0], [1], [0, 0, 1, 1], [], []>, transpose_lhs_hint = false} : vector<1025x1025xbf16>, vector<1025x49xbf16>, vector<1025x49xf32> -> vector<1025x49xf32>
    %dot_general3A_31 = arith.constant dense<0.000000e+00> : vector<1025x49xf32>
    %dot_general3A_32 = tpu.matmul %exp3A, %mul3A_26, %dot_general3A_31 {dimension_numbers = #tpu.dot_dimension_numbers<[1], [0], [0], [1], [0, 0, 1, 1], [], []>, transpose_lhs_hint = false} : vector<1025x1025xbf16>, vector<1025x49xbf16>, vector<1025x49xf32> -> vector<1025x49xf32>
    %slice3A = vector.extract_strided_slice %dot_general3A_30 {offsets = [0, 48], sizes = [1025, 1], strides = [1, 1]} : vector<1025x49xf32> to vector<1025x1xf32>
    %add3A = arith.constant 9.99999993E-9 : f32
    %add3A_33 = vector.broadcast %add3A : f32 to vector<1025x1xf32>
    %add3A_34 = arith.addf %slice3A, %add3A_33 : vector<1025x1xf32>
    %div3A = arith.divf %reshape3A, %add3A_34 : vector<1025x1xf32>
    %sub3A = arith.constant 1.000000e+00 : f32
    %sub3A_35 = vector.broadcast %sub3A : f32 to vector<1025x1xf32>
    %sub3A_36 = arith.subf %sub3A_35, %reshape3A : vector<1025x1xf32>
    %slice3A_37 = vector.extract_strided_slice %dot_general3A_32 {offsets = [0, 48], sizes = [1025, 1], strides = [1, 1]} : vector<1025x49xf32> to vector<1025x1xf32>
    %add3A_38 = arith.constant 9.99999993E-9 : f32
    %add3A_39 = vector.broadcast %add3A_38 : f32 to vector<1025x1xf32>
    %add3A_40 = arith.addf %slice3A_37, %add3A_39 : vector<1025x1xf32>
    %div3A_41 = arith.divf %sub3A_36, %add3A_40 : vector<1025x1xf32>
    %slice3A_42 = vector.extract_strided_slice %dot_general3A_30 {offsets = [0, 0], sizes = [1025, 48], strides = [1, 1]} : vector<1025x49xf32> to vector<1025x48xf32>
    %mul3A_43 = vector.broadcast %div3A : vector<1025x1xf32> to vector<1025x48xf32>
    %mul3A_44 = arith.mulf %slice3A_42, %mul3A_43 : vector<1025x48xf32>
    %slice3A_45 = vector.extract_strided_slice %dot_general3A_32 {offsets = [0, 0], sizes = [1025, 48], strides = [1, 1]} : vector<1025x49xf32> to vector<1025x48xf32>
    %mul3A_46 = vector.broadcast %div3A_41 : vector<1025x1xf32> to vector<1025x48xf32>
    %mul3A_47 = arith.mulf %slice3A_45, %mul3A_46 : vector<1025x48xf32>
    %add3A_48 = arith.addf %mul3A_44, %mul3A_47 : vector<1025x48xf32>
    %get3A_49 = arith.constant 0 : index
    %get3A_50 = arith.constant 0 : index
    %get3A_51 = arith.constant 0 : index
    %get3A_52 = vector.load %arg3[%get3A_49, %get3A_50, %get3A_51] : memref<8x48x384xf32, #tpu.memory_space<vmem>>, vector<1x48x384xf32>
    %get3A_53 = vector.shape_cast %get3A_52 : vector<1x48x384xf32> to vector<48x384xf32>
    %dot_general3A_54 = arith.constant dense<0.000000e+00> : vector<1025x384xf32>
    %dot_general3A_55 = tpu.matmul %add3A_48, %get3A_53, %dot_general3A_54 {dimension_numbers = #tpu.dot_dimension_numbers<[1], [0], [0], [1], [0, 0, 1, 1], [], []>, transpose_lhs_hint = false} : vector<1025x48xf32>, vector<48x384xf32>, vector<1025x384xf32> -> vector<1025x384xf32>
    %get3A_56 = arith.constant 0 : index
    %get3A_57 = arith.constant 0 : index
    %get3A_58 = vector.load %arg4[%get3A_56, %get3A_57] : memref<1x384xf32, #tpu.memory_space<vmem>>, vector<1x384xf32>
    %add3A_59 = vector.broadcast %get3A_58 : vector<1x384xf32> to vector<1025x384xf32>
    %add3A_60 = arith.addf %dot_general3A_55, %add3A_59 : vector<1025x384xf32>
    %swap3A = arith.constant 0 : index
    %swap3A_61 = arith.constant 0 : index
    %swap3A_62 = arith.constant 0 : index
    %swap3A_63 = vector.load %arg5[%swap3A, %swap3A_61, %swap3A_62] : memref<1x1025x384xf32, #tpu.memory_space<vmem>>, vector<1x1025x384xf32>
    %swap3A_64 = vector.shape_cast %swap3A_63 : vector<1x1025x384xf32> to vector<1025x384xf32>
    %swap3A_65 = vector.shape_cast %add3A_60 : vector<1025x384xf32> to vector<1x1025x384xf32>
    tpu.vector_store %arg5[%swap3A, %swap3A_61, %swap3A_62], %swap3A_65 {strides = array<i32>} : memref<1x1025x384xf32, #tpu.memory_space<vmem>>, vector<1x1025x384xf32>,
    %get3A_66 = arith.constant 0 : index
    %get3A_67 = arith.constant 0 : index
    %get3A_68 = arith.constant 48 : index
    %get3A_69 = vector.load %arg1[%get3A_66, %get3A_67, %get3A_68] : memref<1x1025x1152xf32, #tpu.memory_space<vmem>>, vector<1x1025x48xf32>
    %get3A_70 = vector.shape_cast %get3A_69 : vector<1x1025x48xf32> to vector<1025x48xf32>
    %mul3A_71 = arith.constant 0.144337565 : f32
    %mul3A_72 = vector.broadcast %mul3A_71 : f32 to vector<1025x48xf32>
    %mul3A_73 = arith.mulf %get3A_70, %mul3A_72 : vector<1025x48xf32>
    %convert_element_type3A_74 = arith.truncf %mul3A_73 : vector<1025x48xf32> to vector<1025x48xbf16>
    %get3A_75 = arith.constant 0 : index
    %get3A_76 = arith.constant 0 : index
    %get3A_77 = arith.constant 432 : index
    %get3A_78 = vector.load %arg1[%get3A_75, %get3A_76, %get3A_77] : memref<1x1025x1152xf32, #tpu.memory_space<vmem>>, vector<1x1025x48xf32>
    %get3A_79 = vector.shape_cast %get3A_78 : vector<1x1025x48xf32> to vector<1025x48xf32>
    %convert_element_type3A_80 = arith.truncf %get3A_79 : vector<1025x48xf32> to vector<1025x48xbf16>
    %get3A_81 = arith.constant 0 : index
    %get3A_82 = arith.constant 0 : index
    %get3A_83 = arith.constant 816 : index
    %get3A_84 = vector.load %arg1[%get3A_81, %get3A_82, %get3A_83] : memref<1x1025x1152xf32, #tpu.memory_space<vmem>>, vector<1x1025x48xf32>
    %get3A_85 = vector.shape_cast %get3A_84 : vector<1x1025x48xf32> to vector<1025x48xf32>
    %convert_element_type3A_86 = arith.truncf %get3A_85 : vector<1025x48xf32> to vector<1025x48xbf16>
    %concatenate3A_87 = tpu.concatenate %convert_element_type3A_86, %broadcast_in_dim3A_4 in 1 : vector<1025x48xbf16>, vector<1025x1xbf16> -> vector<1025x49xbf16>
    %mul3A_88 = vector.broadcast %convert_element_type3A : vector<1025x1xbf16> to vector<1025x49xbf16>
    %mul3A_89 = arith.mulf %concatenate3A_87, %mul3A_88 : vector<1025x49xbf16>
    %dot_general3A_90 = arith.constant dense<0.000000e+00> : vector<1025x1025xf32>
    %dot_general3A_91 = tpu.matmul %convert_element_type3A_74, %convert_element_type3A_80, %dot_general3A_90 {dimension_numbers = #tpu.dot_dimension_numbers<[1], [1], [0], [0], [0, 0, 1, 0], [], []>, transpose_lhs_hint = false} : vector<1025x48xbf16>, vector<1025x48xbf16>, vector<1025x1025xf32> -> vector<1025x1025xf32>
    %convert_element_type3A_92 = arith.truncf %dot_general3A_91 : vector<1025x1025xf32> to vector<1025x1025xbf16>
    %exp3A_93 = math.exp %convert_element_type3A_92 : vector<1025x1025xbf16>
    %dot_general3A_94 = arith.constant dense<0.000000e+00> : vector<1025x49xf32>
    %dot_general3A_95 = tpu.matmul %exp3A_93, %concatenate3A_87, %dot_general3A_94 {dimension_numbers = #tpu.dot_dimension_numbers<[1], [0], [0], [1], [0, 0, 1, 1], [], []>, transpose_lhs_hint = false} : vector<1025x1025xbf16>, vector<1025x49xbf16>, vector<1025x49xf32> -> vector<1025x49xf32>
    %dot_general3A_96 = arith.constant dense<0.000000e+00> : vector<1025x49xf32>
    %dot_general3A_97 = tpu.matmul %exp3A_93, %mul3A_89, %dot_general3A_96 {dimension_numbers = #tpu.dot_dimension_numbers<[1], [0], [0], [1], [0, 0, 1, 1], [], []>, transpose_lhs_hint = false} : vector<1025x1025xbf16>, vector<1025x49xbf16>, vector<1025x49xf32> -> vector<1025x49xf32>
    %slice3A_98 = vector.extract_strided_slice %dot_general3A_95 {offsets = [0, 48], sizes = [1025, 1], strides = [1, 1]} : vector<1025x49xf32> to vector<1025x1xf32>
    %add3A_99 = arith.constant 9.99999993E-9 : f32
    %add3A_100 = vector.broadcast %add3A_99 : f32 to vector<1025x1xf32>
    %add3A_101 = arith.addf %slice3A_98, %add3A_100 : vector<1025x1xf32>
    %div3A_102 = arith.divf %reshape3A, %add3A_101 : vector<1025x1xf32>
    %sub3A_103 = arith.constant 1.000000e+00 : f32
    %sub3A_104 = vector.broadcast %sub3A_103 : f32 to vector<1025x1xf32>
    %sub3A_105 = arith.subf %sub3A_104, %reshape3A : vector<1025x1xf32>
    %slice3A_106 = vector.extract_strided_slice %dot_general3A_97 {offsets = [0, 48], sizes = [1025, 1], strides = [1, 1]} : vector<1025x49xf32> to vector<1025x1xf32>
    %add3A_107 = arith.constant 9.99999993E-9 : f32
    %add3A_108 = vector.broadcast %add3A_107 : f32 to vector<1025x1xf32>
    %add3A_109 = arith.addf %slice3A_106, %add3A_108 : vector<1025x1xf32>
    %div3A_110 = arith.divf %sub3A_105, %add3A_109 : vector<1025x1xf32>
    %slice3A_111 = vector.extract_strided_slice %dot_general3A_95 {offsets = [0, 0], sizes = [1025, 48], strides = [1, 1]} : vector<1025x49xf32> to vector<1025x48xf32>
    %mul3A_112 = vector.broadcast %div3A_102 : vector<1025x1xf32> to vector<1025x48xf32>
    %mul3A_113 = arith.mulf %slice3A_111, %mul3A_112 : vector<1025x48xf32>
    %slice3A_114 = vector.extract_strided_slice %dot_general3A_97 {offsets = [0, 0], sizes = [1025, 48], strides = [1, 1]} : vector<1025x49xf32> to vector<1025x48xf32>
    %mul3A_115 = vector.broadcast %div3A_110 : vector<1025x1xf32> to vector<1025x48xf32>
    %mul3A_116 = arith.mulf %slice3A_114, %mul3A_115 : vector<1025x48xf32>
    %add3A_117 = arith.addf %mul3A_113, %mul3A_116 : vector<1025x48xf32>
    %get3A_118 = arith.constant 1 : index
    %get3A_119 = arith.constant 0 : index
    %get3A_120 = arith.constant 0 : index
    %get3A_121 = vector.load %arg3[%get3A_118, %get3A_119, %get3A_120] : memref<8x48x384xf32, #tpu.memory_space<vmem>>, vector<1x48x384xf32>
    %get3A_122 = vector.shape_cast %get3A_121 : vector<1x48x384xf32> to vector<48x384xf32>
    %dot_general3A_123 = arith.constant dense<0.000000e+00> : vector<1025x384xf32>
    %dot_general3A_124 = tpu.matmul %add3A_117, %get3A_122, %dot_general3A_123 {dimension_numbers = #tpu.dot_dimension_numbers<[1], [0], [0], [1], [0, 0, 1, 1], [], []>, transpose_lhs_hint = false} : vector<1025x48xf32>, vector<48x384xf32>, vector<1025x384xf32> -> vector<1025x384xf32>
    %get3A_125 = arith.constant 0 : index
    %get3A_126 = arith.constant 0 : index
    %get3A_127 = arith.constant 0 : index
    %get3A_128 = vector.load %arg5[%get3A_125, %get3A_126, %get3A_127] : memref<1x1025x384xf32, #tpu.memory_space<vmem>>, vector<1x1025x384xf32>
    %get3A_129 = vector.shape_cast %get3A_128 : vector<1x1025x384xf32> to vector<1025x384xf32>
    %add3A_130 = arith.addf %get3A_129, %dot_general3A_124 : vector<1025x384xf32>
    %swap3A_131 = arith.constant 0 : index
    %swap3A_132 = arith.constant 0 : index
    %swap3A_133 = arith.constant 0 : index
    %swap3A_134 = vector.load %arg5[%swap3A_131, %swap3A_132, %swap3A_133] : memref<1x1025x384xf32, #tpu.memory_space<vmem>>, vector<1x1025x384xf32>
    %swap3A_135 = vector.shape_cast %swap3A_134 : vector<1x1025x384xf32> to vector<1025x384xf32>
    %swap3A_136 = vector.shape_cast %add3A_130 : vector<1025x384xf32> to vector<1x1025x384xf32>
    tpu.vector_store %arg5[%swap3A_131, %swap3A_132, %swap3A_133], %swap3A_136 {strides = array<i32>} : memref<1x1025x384xf32, #tpu.memory_space<vmem>>, vector<1x1025x384xf32>,
    %get3A_137 = arith.constant 0 : index
    %get3A_138 = arith.constant 0 : index
    %get3A_139 = arith.constant 96 : index
    %get3A_140 = vector.load %arg1[%get3A_137, %get3A_138, %get3A_139] : memref<1x1025x1152xf32, #tpu.memory_space<vmem>>, vector<1x1025x48xf32>
    %get3A_141 = vector.shape_cast %get3A_140 : vector<1x1025x48xf32> to vector<1025x48xf32>
    %mul3A_142 = arith.constant 0.144337565 : f32
    %mul3A_143 = vector.broadcast %mul3A_142 : f32 to vector<1025x48xf32>
    %mul3A_144 = arith.mulf %get3A_141, %mul3A_143 : vector<1025x48xf32>
    %convert_element_type3A_145 = arith.truncf %mul3A_144 : vector<1025x48xf32> to vector<1025x48xbf16>
    %get3A_146 = arith.constant 0 : index
    %get3A_147 = arith.constant 0 : index
    %get3A_148 = arith.constant 480 : index
    %get3A_149 = vector.load %arg1[%get3A_146, %get3A_147, %get3A_148] : memref<1x1025x1152xf32, #tpu.memory_space<vmem>>, vector<1x1025x48xf32>
    %get3A_150 = vector.shape_cast %get3A_149 : vector<1x1025x48xf32> to vector<1025x48xf32>
    %convert_element_type3A_151 = arith.truncf %get3A_150 : vector<1025x48xf32> to vector<1025x48xbf16>
    %get3A_152 = arith.constant 0 : index
    %get3A_153 = arith.constant 0 : index
    %get3A_154 = arith.constant 864 : index
    %get3A_155 = vector.load %arg1[%get3A_152, %get3A_153, %get3A_154] : memref<1x1025x1152xf32, #tpu.memory_space<vmem>>, vector<1x1025x48xf32>
    %get3A_156 = vector.shape_cast %get3A_155 : vector<1x1025x48xf32> to vector<1025x48xf32>
    %convert_element_type3A_157 = arith.truncf %get3A_156 : vector<1025x48xf32> to vector<1025x48xbf16>
    %concatenate3A_158 = tpu.concatenate %convert_element_type3A_157, %broadcast_in_dim3A_4 in 1 : vector<1025x48xbf16>, vector<1025x1xbf16> -> vector<1025x49xbf16>
    %mul3A_159 = vector.broadcast %convert_element_type3A : vector<1025x1xbf16> to vector<1025x49xbf16>
    %mul3A_160 = arith.mulf %concatenate3A_158, %mul3A_159 : vector<1025x49xbf16>
    %dot_general3A_161 = arith.constant dense<0.000000e+00> : vector<1025x1025xf32>
    %dot_general3A_162 = tpu.matmul %convert_element_type3A_145, %convert_element_type3A_151, %dot_general3A_161 {dimension_numbers = #tpu.dot_dimension_numbers<[1], [1], [0], [0], [0, 0, 1, 0], [], []>, transpose_lhs_hint = false} : vector<1025x48xbf16>, vector<1025x48xbf16>, vector<1025x1025xf32> -> vector<1025x1025xf32>
    %convert_element_type3A_163 = arith.truncf %dot_general3A_162 : vector<1025x1025xf32> to vector<1025x1025xbf16>
    %exp3A_164 = math.exp %convert_element_type3A_163 : vector<1025x1025xbf16>
    %dot_general3A_165 = arith.constant dense<0.000000e+00> : vector<1025x49xf32>
    %dot_general3A_166 = tpu.matmul %exp3A_164, %concatenate3A_158, %dot_general3A_165 {dimension_numbers = #tpu.dot_dimension_numbers<[1], [0], [0], [1], [0, 0, 1, 1], [], []>, transpose_lhs_hint = false} : vector<1025x1025xbf16>, vector<1025x49xbf16>, vector<1025x49xf32> -> vector<1025x49xf32>
    %dot_general3A_167 = arith.constant dense<0.000000e+00> : vector<1025x49xf32>
    %dot_general3A_168 = tpu.matmul %exp3A_164, %mul3A_160, %dot_general3A_167 {dimension_numbers = #tpu.dot_dimension_numbers<[1], [0], [0], [1], [0, 0, 1, 1], [], []>, transpose_lhs_hint = false} : vector<1025x1025xbf16>, vector<1025x49xbf16>, vector<1025x49xf32> -> vector<1025x49xf32>
    %slice3A_169 = vector.extract_strided_slice %dot_general3A_166 {offsets = [0, 48], sizes = [1025, 1], strides = [1, 1]} : vector<1025x49xf32> to vector<1025x1xf32>
    %add3A_170 = arith.constant 9.99999993E-9 : f32
    %add3A_171 = vector.broadcast %add3A_170 : f32 to vector<1025x1xf32>
    %add3A_172 = arith.addf %slice3A_169, %add3A_171 : vector<1025x1xf32>
    %div3A_173 = arith.divf %reshape3A, %add3A_172 : vector<1025x1xf32>
    %sub3A_174 = arith.constant 1.000000e+00 : f32
    %sub3A_175 = vector.broadcast %sub3A_174 : f32 to vector<1025x1xf32>
    %sub3A_176 = arith.subf %sub3A_175, %reshape3A : vector<1025x1xf32>
    %slice3A_177 = vector.extract_strided_slice %dot_general3A_168 {offsets = [0, 48], sizes = [1025, 1], strides = [1, 1]} : vector<1025x49xf32> to vector<1025x1xf32>
    %add3A_178 = arith.constant 9.99999993E-9 : f32
    %add3A_179 = vector.broadcast %add3A_178 : f32 to vector<1025x1xf32>
    %add3A_180 = arith.addf %slice3A_177, %add3A_179 : vector<1025x1xf32>
    %div3A_181 = arith.divf %sub3A_176, %add3A_180 : vector<1025x1xf32>
    %slice3A_182 = vector.extract_strided_slice %dot_general3A_166 {offsets = [0, 0], sizes = [1025, 48], strides = [1, 1]} : vector<1025x49xf32> to vector<1025x48xf32>
    %mul3A_183 = vector.broadcast %div3A_173 : vector<1025x1xf32> to vector<1025x48xf32>
    %mul3A_184 = arith.mulf %slice3A_182, %mul3A_183 : vector<1025x48xf32>
    %slice3A_185 = vector.extract_strided_slice %dot_general3A_168 {offsets = [0, 0], sizes = [1025, 48], strides = [1, 1]} : vector<1025x49xf32> to vector<1025x48xf32>
    %mul3A_186 = vector.broadcast %div3A_181 : vector<1025x1xf32> to vector<1025x48xf32>
    %mul3A_187 = arith.mulf %slice3A_185, %mul3A_186 : vector<1025x48xf32>
    %add3A_188 = arith.addf %mul3A_184, %mul3A_187 : vector<1025x48xf32>
    %get3A_189 = arith.constant 2 : index
    %get3A_190 = arith.constant 0 : index
    %get3A_191 = arith.constant 0 : index
    %get3A_192 = vector.load %arg3[%get3A_189, %get3A_190, %get3A_191] : memref<8x48x384xf32, #tpu.memory_space<vmem>>, vector<1x48x384xf32>
    %get3A_193 = vector.shape_cast %get3A_192 : vector<1x48x384xf32> to vector<48x384xf32>
    %dot_general3A_194 = arith.constant dense<0.000000e+00> : vector<1025x384xf32>
    %dot_general3A_195 = tpu.matmul %add3A_188, %get3A_193, %dot_general3A_194 {dimension_numbers = #tpu.dot_dimension_numbers<[1], [0], [0], [1], [0, 0, 1, 1], [], []>, transpose_lhs_hint = false} : vector<1025x48xf32>, vector<48x384xf32>, vector<1025x384xf32> -> vector<1025x384xf32>
    %get3A_196 = arith.constant 0 : index
    %get3A_197 = arith.constant 0 : index
    %get3A_198 = arith.constant 0 : index
    %get3A_199 = vector.load %arg5[%get3A_196, %get3A_197, %get3A_198] : memref<1x1025x384xf32, #tpu.memory_space<vmem>>, vector<1x1025x384xf32>
    %get3A_200 = vector.shape_cast %get3A_199 : vector<1x1025x384xf32> to vector<1025x384xf32>
    %add3A_201 = arith.addf %get3A_200, %dot_general3A_195 : vector<1025x384xf32>
    %swap3A_202 = arith.constant 0 : index
    %swap3A_203 = arith.constant 0 : index
    %swap3A_204 = arith.constant 0 : index
    %swap3A_205 = vector.load %arg5[%swap3A_202, %swap3A_203, %swap3A_204] : memref<1x1025x384xf32, #tpu.memory_space<vmem>>, vector<1x1025x384xf32>
    %swap3A_206 = vector.shape_cast %swap3A_205 : vector<1x1025x384xf32> to vector<1025x384xf32>
    %swap3A_207 = vector.shape_cast %add3A_201 : vector<1025x384xf32> to vector<1x1025x384xf32>
    tpu.vector_store %arg5[%swap3A_202, %swap3A_203, %swap3A_204], %swap3A_207 {strides = array<i32>} : memref<1x1025x384xf32, #tpu.memory_space<vmem>>, vector<1x1025x384xf32>,
    %get3A_208 = arith.constant 0 : index
    %get3A_209 = arith.constant 0 : index
    %get3A_210 = arith.constant 144 : index
    %get3A_211 = vector.load %arg1[%get3A_208, %get3A_209, %get3A_210] : memref<1x1025x1152xf32, #tpu.memory_space<vmem>>, vector<1x1025x48xf32>
    %get3A_212 = vector.shape_cast %get3A_211 : vector<1x1025x48xf32> to vector<1025x48xf32>
    %mul3A_213 = arith.constant 0.144337565 : f32
    %mul3A_214 = vector.broadcast %mul3A_213 : f32 to vector<1025x48xf32>
    %mul3A_215 = arith.mulf %get3A_212, %mul3A_214 : vector<1025x48xf32>
    %convert_element_type3A_216 = arith.truncf %mul3A_215 : vector<1025x48xf32> to vector<1025x48xbf16>
    %get3A_217 = arith.constant 0 : index
    %get3A_218 = arith.constant 0 : index
    %get3A_219 = arith.constant 528 : index
    %get3A_220 = vector.load %arg1[%get3A_217, %get3A_218, %get3A_219] : memref<1x1025x1152xf32, #tpu.memory_space<vmem>>, vector<1x1025x48xf32>
    %get3A_221 = vector.shape_cast %get3A_220 : vector<1x1025x48xf32> to vector<1025x48xf32>
    %convert_element_type3A_222 = arith.truncf %get3A_221 : vector<1025x48xf32> to vector<1025x48xbf16>
    %get3A_223 = arith.constant 0 : index
    %get3A_224 = arith.constant 0 : index
    %get3A_225 = arith.constant 912 : index
    %get3A_226 = vector.load %arg1[%get3A_223, %get3A_224, %get3A_225] : memref<1x1025x1152xf32, #tpu.memory_space<vmem>>, vector<1x1025x48xf32>
    %get3A_227 = vector.shape_cast %get3A_226 : vector<1x1025x48xf32> to vector<1025x48xf32>
    %convert_element_type3A_228 = arith.truncf %get3A_227 : vector<1025x48xf32> to vector<1025x48xbf16>
    %concatenate3A_229 = tpu.concatenate %convert_element_type3A_228, %broadcast_in_dim3A_4 in 1 : vector<1025x48xbf16>, vector<1025x1xbf16> -> vector<1025x49xbf16>
    %mul3A_230 = vector.broadcast %convert_element_type3A : vector<1025x1xbf16> to vector<1025x49xbf16>
    %mul3A_231 = arith.mulf %concatenate3A_229, %mul3A_230 : vector<1025x49xbf16>
    %dot_general3A_232 = arith.constant dense<0.000000e+00> : vector<1025x1025xf32>
    %dot_general3A_233 = tpu.matmul %convert_element_type3A_216, %convert_element_type3A_222, %dot_general3A_232 {dimension_numbers = #tpu.dot_dimension_numbers<[1], [1], [0], [0], [0, 0, 1, 0], [], []>, transpose_lhs_hint = false} : vector<1025x48xbf16>, vector<1025x48xbf16>, vector<1025x1025xf32> -> vector<1025x1025xf32>
    %convert_element_type3A_234 = arith.truncf %dot_general3A_233 : vector<1025x1025xf32> to vector<1025x1025xbf16>
    %exp3A_235 = math.exp %convert_element_type3A_234 : vector<1025x1025xbf16>
    %dot_general3A_236 = arith.constant dense<0.000000e+00> : vector<1025x49xf32>
    %dot_general3A_237 = tpu.matmul %exp3A_235, %concatenate3A_229, %dot_general3A_236 {dimension_numbers = #tpu.dot_dimension_numbers<[1], [0], [0], [1], [0, 0, 1, 1], [], []>, transpose_lhs_hint = false} : vector<1025x1025xbf16>, vector<1025x49xbf16>, vector<1025x49xf32> -> vector<1025x49xf32>
    %dot_general3A_238 = arith.constant dense<0.000000e+00> : vector<1025x49xf32>
    %dot_general3A_239 = tpu.matmul %exp3A_235, %mul3A_231, %dot_general3A_238 {dimension_numbers = #tpu.dot_dimension_numbers<[1], [0], [0], [1], [0, 0, 1, 1], [], []>, transpose_lhs_hint = false} : vector<1025x1025xbf16>, vector<1025x49xbf16>, vector<1025x49xf32> -> vector<1025x49xf32>
    %slice3A_240 = vector.extract_strided_slice %dot_general3A_237 {offsets = [0, 48], sizes = [1025, 1], strides = [1, 1]} : vector<1025x49xf32> to vector<1025x1xf32>
    %add3A_241 = arith.constant 9.99999993E-9 : f32
    %add3A_242 = vector.broadcast %add3A_241 : f32 to vector<1025x1xf32>
    %add3A_243 = arith.addf %slice3A_240, %add3A_242 : vector<1025x1xf32>
    %div3A_244 = arith.divf %reshape3A, %add3A_243 : vector<1025x1xf32>
    %sub3A_245 = arith.constant 1.000000e+00 : f32
    %sub3A_246 = vector.broadcast %sub3A_245 : f32 to vector<1025x1xf32>
    %sub3A_247 = arith.subf %sub3A_246, %reshape3A : vector<1025x1xf32>
    %slice3A_248 = vector.extract_strided_slice %dot_general3A_239 {offsets = [0, 48], sizes = [1025, 1], strides = [1, 1]} : vector<1025x49xf32> to vector<1025x1xf32>
    %add3A_249 = arith.constant 9.99999993E-9 : f32
    %add3A_250 = vector.broadcast %add3A_249 : f32 to vector<1025x1xf32>
    %add3A_251 = arith.addf %slice3A_248, %add3A_250 : vector<1025x1xf32>
    %div3A_252 = arith.divf %sub3A_247, %add3A_251 : vector<1025x1xf32>
    %slice3A_253 = vector.extract_strided_slice %dot_general3A_237 {offsets = [0, 0], sizes = [1025, 48], strides = [1, 1]} : vector<1025x49xf32> to vector<1025x48xf32>
    %mul3A_254 = vector.broadcast %div3A_244 : vector<1025x1xf32> to vector<1025x48xf32>
    %mul3A_255 = arith.mulf %slice3A_253, %mul3A_254 : vector<1025x48xf32>
    %slice3A_256 = vector.extract_strided_slice %dot_general3A_239 {offsets = [0, 0], sizes = [1025, 48], strides = [1, 1]} : vector<1025x49xf32> to vector<1025x48xf32>
    %mul3A_257 = vector.broadcast %div3A_252 : vector<1025x1xf32> to vector<1025x48xf32>
    %mul3A_258 = arith.mulf %slice3A_256, %mul3A_257 : vector<1025x48xf32>
    %add3A_259 = arith.addf %mul3A_255, %mul3A_258 : vector<1025x48xf32>
    %get3A_260 = arith.constant 3 : index
    %get3A_261 = arith.constant 0 : index
    %get3A_262 = arith.constant 0 : index
    %get3A_263 = vector.load %arg3[%get3A_260, %get3A_261, %get3A_262] : memref<8x48x384xf32, #tpu.memory_space<vmem>>, vector<1x48x384xf32>
    %get3A_264 = vector.shape_cast %get3A_263 : vector<1x48x384xf32> to vector<48x384xf32>
    %dot_general3A_265 = arith.constant dense<0.000000e+00> : vector<1025x384xf32>
    %dot_general3A_266 = tpu.matmul %add3A_259, %get3A_264, %dot_general3A_265 {dimension_numbers = #tpu.dot_dimension_numbers<[1], [0], [0], [1], [0, 0, 1, 1], [], []>, transpose_lhs_hint = false} : vector<1025x48xf32>, vector<48x384xf32>, vector<1025x384xf32> -> vector<1025x384xf32>
    %get3A_267 = arith.constant 0 : index
    %get3A_268 = arith.constant 0 : index
    %get3A_269 = arith.constant 0 : index
    %get3A_270 = vector.load %arg5[%get3A_267, %get3A_268, %get3A_269] : memref<1x1025x384xf32, #tpu.memory_space<vmem>>, vector<1x1025x384xf32>
    %get3A_271 = vector.shape_cast %get3A_270 : vector<1x1025x384xf32> to vector<1025x384xf32>
    %add3A_272 = arith.addf %get3A_271, %dot_general3A_266 : vector<1025x384xf32>
    %swap3A_273 = arith.constant 0 : index
    %swap3A_274 = arith.constant 0 : index
    %swap3A_275 = arith.constant 0 : index
    %swap3A_276 = vector.load %arg5[%swap3A_273, %swap3A_274, %swap3A_275] : memref<1x1025x384xf32, #tpu.memory_space<vmem>>, vector<1x1025x384xf32>
    %swap3A_277 = vector.shape_cast %swap3A_276 : vector<1x1025x384xf32> to vector<1025x384xf32>
    %swap3A_278 = vector.shape_cast %add3A_272 : vector<1025x384xf32> to vector<1x1025x384xf32>
    tpu.vector_store %arg5[%swap3A_273, %swap3A_274, %swap3A_275], %swap3A_278 {strides = array<i32>} : memref<1x1025x384xf32, #tpu.memory_space<vmem>>, vector<1x1025x384xf32>,
    %get3A_279 = arith.constant 0 : index
    %get3A_280 = arith.constant 0 : index
    %get3A_281 = arith.constant 192 : index
    %get3A_282 = vector.load %arg1[%get3A_279, %get3A_280, %get3A_281] : memref<1x1025x1152xf32, #tpu.memory_space<vmem>>, vector<1x1025x48xf32>
    %get3A_283 = vector.shape_cast %get3A_282 : vector<1x1025x48xf32> to vector<1025x48xf32>
    %mul3A_284 = arith.constant 0.144337565 : f32
    %mul3A_285 = vector.broadcast %mul3A_284 : f32 to vector<1025x48xf32>
    %mul3A_286 = arith.mulf %get3A_283, %mul3A_285 : vector<1025x48xf32>
    %convert_element_type3A_287 = arith.truncf %mul3A_286 : vector<1025x48xf32> to vector<1025x48xbf16>
    %get3A_288 = arith.constant 0 : index
    %get3A_289 = arith.constant 0 : index
    %get3A_290 = arith.constant 576 : index
    %get3A_291 = vector.load %arg1[%get3A_288, %get3A_289, %get3A_290] : memref<1x1025x1152xf32, #tpu.memory_space<vmem>>, vector<1x1025x48xf32>
    %get3A_292 = vector.shape_cast %get3A_291 : vector<1x1025x48xf32> to vector<1025x48xf32>
    %convert_element_type3A_293 = arith.truncf %get3A_292 : vector<1025x48xf32> to vector<1025x48xbf16>
    %get3A_294 = arith.constant 0 : index
    %get3A_295 = arith.constant 0 : index
    %get3A_296 = arith.constant 960 : index
    %get3A_297 = vector.load %arg1[%get3A_294, %get3A_295, %get3A_296] : memref<1x1025x1152xf32, #tpu.memory_space<vmem>>, vector<1x1025x48xf32>
    %get3A_298 = vector.shape_cast %get3A_297 : vector<1x1025x48xf32> to vector<1025x48xf32>
    %convert_element_type3A_299 = arith.truncf %get3A_298 : vector<1025x48xf32> to vector<1025x48xbf16>
    %concatenate3A_300 = tpu.concatenate %convert_element_type3A_299, %broadcast_in_dim3A_4 in 1 : vector<1025x48xbf16>, vector<1025x1xbf16> -> vector<1025x49xbf16>
    %mul3A_301 = vector.broadcast %convert_element_type3A : vector<1025x1xbf16> to vector<1025x49xbf16>
    %mul3A_302 = arith.mulf %concatenate3A_300, %mul3A_301 : vector<1025x49xbf16>
    %dot_general3A_303 = arith.constant dense<0.000000e+00> : vector<1025x1025xf32>
    %dot_general3A_304 = tpu.matmul %convert_element_type3A_287, %convert_element_type3A_293, %dot_general3A_303 {dimension_numbers = #tpu.dot_dimension_numbers<[1], [1], [0], [0], [0, 0, 1, 0], [], []>, transpose_lhs_hint = false} : vector<1025x48xbf16>, vector<1025x48xbf16>, vector<1025x1025xf32> -> vector<1025x1025xf32>
    %convert_element_type3A_305 = arith.truncf %dot_general3A_304 : vector<1025x1025xf32> to vector<1025x1025xbf16>
    %exp3A_306 = math.exp %convert_element_type3A_305 : vector<1025x1025xbf16>
    %dot_general3A_307 = arith.constant dense<0.000000e+00> : vector<1025x49xf32>
    %dot_general3A_308 = tpu.matmul %exp3A_306, %concatenate3A_300, %dot_general3A_307 {dimension_numbers = #tpu.dot_dimension_numbers<[1], [0], [0], [1], [0, 0, 1, 1], [], []>, transpose_lhs_hint = false} : vector<1025x1025xbf16>, vector<1025x49xbf16>, vector<1025x49xf32> -> vector<1025x49xf32>
    %dot_general3A_309 = arith.constant dense<0.000000e+00> : vector<1025x49xf32>
    %dot_general3A_310 = tpu.matmul %exp3A_306, %mul3A_302, %dot_general3A_309 {dimension_numbers = #tpu.dot_dimension_numbers<[1], [0], [0], [1], [0, 0, 1, 1], [], []>, transpose_lhs_hint = false} : vector<1025x1025xbf16>, vector<1025x49xbf16>, vector<1025x49xf32> -> vector<1025x49xf32>
    %slice3A_311 = vector.extract_strided_slice %dot_general3A_308 {offsets = [0, 48], sizes = [1025, 1], strides = [1, 1]} : vector<1025x49xf32> to vector<1025x1xf32>
    %add3A_312 = arith.constant 9.99999993E-9 : f32
    %add3A_313 = vector.broadcast %add3A_312 : f32 to vector<1025x1xf32>
    %add3A_314 = arith.addf %slice3A_311, %add3A_313 : vector<1025x1xf32>
    %div3A_315 = arith.divf %reshape3A, %add3A_314 : vector<1025x1xf32>
    %sub3A_316 = arith.constant 1.000000e+00 : f32
    %sub3A_317 = vector.broadcast %sub3A_316 : f32 to vector<1025x1xf32>
    %sub3A_318 = arith.subf %sub3A_317, %reshape3A : vector<1025x1xf32>
    %slice3A_319 = vector.extract_strided_slice %dot_general3A_310 {offsets = [0, 48], sizes = [1025, 1], strides = [1, 1]} : vector<1025x49xf32> to vector<1025x1xf32>
    %add3A_320 = arith.constant 9.99999993E-9 : f32
    %add3A_321 = vector.broadcast %add3A_320 : f32 to vector<1025x1xf32>
    %add3A_322 = arith.addf %slice3A_319, %add3A_321 : vector<1025x1xf32>
    %div3A_323 = arith.divf %sub3A_318, %add3A_322 : vector<1025x1xf32>
    %slice3A_324 = vector.extract_strided_slice %dot_general3A_308 {offsets = [0, 0], sizes = [1025, 48], strides = [1, 1]} : vector<1025x49xf32> to vector<1025x48xf32>
    %mul3A_325 = vector.broadcast %div3A_315 : vector<1025x1xf32> to vector<1025x48xf32>
    %mul3A_326 = arith.mulf %slice3A_324, %mul3A_325 : vector<1025x48xf32>
    %slice3A_327 = vector.extract_strided_slice %dot_general3A_310 {offsets = [0, 0], sizes = [1025, 48], strides = [1, 1]} : vector<1025x49xf32> to vector<1025x48xf32>
    %mul3A_328 = vector.broadcast %div3A_323 : vector<1025x1xf32> to vector<1025x48xf32>
    %mul3A_329 = arith.mulf %slice3A_327, %mul3A_328 : vector<1025x48xf32>
    %add3A_330 = arith.addf %mul3A_326, %mul3A_329 : vector<1025x48xf32>
    %get3A_331 = arith.constant 4 : index
    %get3A_332 = arith.constant 0 : index
    %get3A_333 = arith.constant 0 : index
    %get3A_334 = vector.load %arg3[%get3A_331, %get3A_332, %get3A_333] : memref<8x48x384xf32, #tpu.memory_space<vmem>>, vector<1x48x384xf32>
    %get3A_335 = vector.shape_cast %get3A_334 : vector<1x48x384xf32> to vector<48x384xf32>
    %dot_general3A_336 = arith.constant dense<0.000000e+00> : vector<1025x384xf32>
    %dot_general3A_337 = tpu.matmul %add3A_330, %get3A_335, %dot_general3A_336 {dimension_numbers = #tpu.dot_dimension_numbers<[1], [0], [0], [1], [0, 0, 1, 1], [], []>, transpose_lhs_hint = false} : vector<1025x48xf32>, vector<48x384xf32>, vector<1025x384xf32> -> vector<1025x384xf32>
    %get3A_338 = arith.constant 0 : index
    %get3A_339 = arith.constant 0 : index
    %get3A_340 = arith.constant 0 : index
    %get3A_341 = vector.load %arg5[%get3A_338, %get3A_339, %get3A_340] : memref<1x1025x384xf32, #tpu.memory_space<vmem>>, vector<1x1025x384xf32>
    %get3A_342 = vector.shape_cast %get3A_341 : vector<1x1025x384xf32> to vector<1025x384xf32>
    %add3A_343 = arith.addf %get3A_342, %dot_general3A_337 : vector<1025x384xf32>
    %swap3A_344 = arith.constant 0 : index
    %swap3A_345 = arith.constant 0 : index
    %swap3A_346 = arith.constant 0 : index
    %swap3A_347 = vector.load %arg5[%swap3A_344, %swap3A_345, %swap3A_346] : memref<1x1025x384xf32, #tpu.memory_space<vmem>>, vector<1x1025x384xf32>
    %swap3A_348 = vector.shape_cast %swap3A_347 : vector<1x1025x384xf32> to vector<1025x384xf32>
    %swap3A_349 = vector.shape_cast %add3A_343 : vector<1025x384xf32> to vector<1x1025x384xf32>
    tpu.vector_store %arg5[%swap3A_344, %swap3A_345, %swap3A_346], %swap3A_349 {strides = array<i32>} : memref<1x1025x384xf32, #tpu.memory_space<vmem>>, vector<1x1025x384xf32>,
    %get3A_350 = arith.constant 0 : index
    %get3A_351 = arith.constant 0 : index
    %get3A_352 = arith.constant 240 : index
    %get3A_353 = vector.load %arg1[%get3A_350, %get3A_351, %get3A_352] : memref<1x1025x1152xf32, #tpu.memory_space<vmem>>, vector<1x1025x48xf32>
    %get3A_354 = vector.shape_cast %get3A_353 : vector<1x1025x48xf32> to vector<1025x48xf32>
    %mul3A_355 = arith.constant 0.144337565 : f32
    %mul3A_356 = vector.broadcast %mul3A_355 : f32 to vector<1025x48xf32>
    %mul3A_357 = arith.mulf %get3A_354, %mul3A_356 : vector<1025x48xf32>
    %convert_element_type3A_358 = arith.truncf %mul3A_357 : vector<1025x48xf32> to vector<1025x48xbf16>
    %get3A_359 = arith.constant 0 : index
    %get3A_360 = arith.constant 0 : index
    %get3A_361 = arith.constant 624 : index
    %get3A_362 = vector.load %arg1[%get3A_359, %get3A_360, %get3A_361] : memref<1x1025x1152xf32, #tpu.memory_space<vmem>>, vector<1x1025x48xf32>
    %get3A_363 = vector.shape_cast %get3A_362 : vector<1x1025x48xf32> to vector<1025x48xf32>
    %convert_element_type3A_364 = arith.truncf %get3A_363 : vector<1025x48xf32> to vector<1025x48xbf16>
    %get3A_365 = arith.constant 0 : index
    %get3A_366 = arith.constant 0 : index
    %get3A_367 = arith.constant 1008 : index
    %get3A_368 = vector.load %arg1[%get3A_365, %get3A_366, %get3A_367] : memref<1x1025x1152xf32, #tpu.memory_space<vmem>>, vector<1x1025x48xf32>
    %get3A_369 = vector.shape_cast %get3A_368 : vector<1x1025x48xf32> to vector<1025x48xf32>
    %convert_element_type3A_370 = arith.truncf %get3A_369 : vector<1025x48xf32> to vector<1025x48xbf16>
    %concatenate3A_371 = tpu.concatenate %convert_element_type3A_370, %broadcast_in_dim3A_4 in 1 : vector<1025x48xbf16>, vector<1025x1xbf16> -> vector<1025x49xbf16>
    %mul3A_372 = vector.broadcast %convert_element_type3A : vector<1025x1xbf16> to vector<1025x49xbf16>
    %mul3A_373 = arith.mulf %concatenate3A_371, %mul3A_372 : vector<1025x49xbf16>
    %dot_general3A_374 = arith.constant dense<0.000000e+00> : vector<1025x1025xf32>
    %dot_general3A_375 = tpu.matmul %convert_element_type3A_358, %convert_element_type3A_364, %dot_general3A_374 {dimension_numbers = #tpu.dot_dimension_numbers<[1], [1], [0], [0], [0, 0, 1, 0], [], []>, transpose_lhs_hint = false} : vector<1025x48xbf16>, vector<1025x48xbf16>, vector<1025x1025xf32> -> vector<1025x1025xf32>
    %convert_element_type3A_376 = arith.truncf %dot_general3A_375 : vector<1025x1025xf32> to vector<1025x1025xbf16>
    %exp3A_377 = math.exp %convert_element_type3A_376 : vector<1025x1025xbf16>
    %dot_general3A_378 = arith.constant dense<0.000000e+00> : vector<1025x49xf32>
    %dot_general3A_379 = tpu.matmul %exp3A_377, %concatenate3A_371, %dot_general3A_378 {dimension_numbers = #tpu.dot_dimension_numbers<[1], [0], [0], [1], [0, 0, 1, 1], [], []>, transpose_lhs_hint = false} : vector<1025x1025xbf16>, vector<1025x49xbf16>, vector<1025x49xf32> -> vector<1025x49xf32>
    %dot_general3A_380 = arith.constant dense<0.000000e+00> : vector<1025x49xf32>
    %dot_general3A_381 = tpu.matmul %exp3A_377, %mul3A_373, %dot_general3A_380 {dimension_numbers = #tpu.dot_dimension_numbers<[1], [0], [0], [1], [0, 0, 1, 1], [], []>, transpose_lhs_hint = false} : vector<1025x1025xbf16>, vector<1025x49xbf16>, vector<1025x49xf32> -> vector<1025x49xf32>
    %slice3A_382 = vector.extract_strided_slice %dot_general3A_379 {offsets = [0, 48], sizes = [1025, 1], strides = [1, 1]} : vector<1025x49xf32> to vector<1025x1xf32>
    %add3A_383 = arith.constant 9.99999993E-9 : f32
    %add3A_384 = vector.broadcast %add3A_383 : f32 to vector<1025x1xf32>
    %add3A_385 = arith.addf %slice3A_382, %add3A_384 : vector<1025x1xf32>
    %div3A_386 = arith.divf %reshape3A, %add3A_385 : vector<1025x1xf32>
    %sub3A_387 = arith.constant 1.000000e+00 : f32
    %sub3A_388 = vector.broadcast %sub3A_387 : f32 to vector<1025x1xf32>
    %sub3A_389 = arith.subf %sub3A_388, %reshape3A : vector<1025x1xf32>
    %slice3A_390 = vector.extract_strided_slice %dot_general3A_381 {offsets = [0, 48], sizes = [1025, 1], strides = [1, 1]} : vector<1025x49xf32> to vector<1025x1xf32>
    %add3A_391 = arith.constant 9.99999993E-9 : f32
    %add3A_392 = vector.broadcast %add3A_391 : f32 to vector<1025x1xf32>
    %add3A_393 = arith.addf %slice3A_390, %add3A_392 : vector<1025x1xf32>
    %div3A_394 = arith.divf %sub3A_389, %add3A_393 : vector<1025x1xf32>
    %slice3A_395 = vector.extract_strided_slice %dot_general3A_379 {offsets = [0, 0], sizes = [1025, 48], strides = [1, 1]} : vector<1025x49xf32> to vector<1025x48xf32>
    %mul3A_396 = vector.broadcast %div3A_386 : vector<1025x1xf32> to vector<1025x48xf32>
    %mul3A_397 = arith.mulf %slice3A_395, %mul3A_396 : vector<1025x48xf32>
    %slice3A_398 = vector.extract_strided_slice %dot_general3A_381 {offsets = [0, 0], sizes = [1025, 48], strides = [1, 1]} : vector<1025x49xf32> to vector<1025x48xf32>
    %mul3A_399 = vector.broadcast %div3A_394 : vector<1025x1xf32> to vector<1025x48xf32>
    %mul3A_400 = arith.mulf %slice3A_398, %mul3A_399 : vector<1025x48xf32>
    %add3A_401 = arith.addf %mul3A_397, %mul3A_400 : vector<1025x48xf32>
    %get3A_402 = arith.constant 5 : index
    %get3A_403 = arith.constant 0 : index
    %get3A_404 = arith.constant 0 : index
    %get3A_405 = vector.load %arg3[%get3A_402, %get3A_403, %get3A_404] : memref<8x48x384xf32, #tpu.memory_space<vmem>>, vector<1x48x384xf32>
    %get3A_406 = vector.shape_cast %get3A_405 : vector<1x48x384xf32> to vector<48x384xf32>
    %dot_general3A_407 = arith.constant dense<0.000000e+00> : vector<1025x384xf32>
    %dot_general3A_408 = tpu.matmul %add3A_401, %get3A_406, %dot_general3A_407 {dimension_numbers = #tpu.dot_dimension_numbers<[1], [0], [0], [1], [0, 0, 1, 1], [], []>, transpose_lhs_hint = false} : vector<1025x48xf32>, vector<48x384xf32>, vector<1025x384xf32> -> vector<1025x384xf32>
    %get3A_409 = arith.constant 0 : index
    %get3A_410 = arith.constant 0 : index
    %get3A_411 = arith.constant 0 : index
    %get3A_412 = vector.load %arg5[%get3A_409, %get3A_410, %get3A_411] : memref<1x1025x384xf32, #tpu.memory_space<vmem>>, vector<1x1025x384xf32>
    %get3A_413 = vector.shape_cast %get3A_412 : vector<1x1025x384xf32> to vector<1025x384xf32>
    %add3A_414 = arith.addf %get3A_413, %dot_general3A_408 : vector<1025x384xf32>
    %swap3A_415 = arith.constant 0 : index
    %swap3A_416 = arith.constant 0 : index
    %swap3A_417 = arith.constant 0 : index
    %swap3A_418 = vector.load %arg5[%swap3A_415, %swap3A_416, %swap3A_417] : memref<1x1025x384xf32, #tpu.memory_space<vmem>>, vector<1x1025x384xf32>
    %swap3A_419 = vector.shape_cast %swap3A_418 : vector<1x1025x384xf32> to vector<1025x384xf32>
    %swap3A_420 = vector.shape_cast %add3A_414 : vector<1025x384xf32> to vector<1x1025x384xf32>
    tpu.vector_store %arg5[%swap3A_415, %swap3A_416, %swap3A_417], %swap3A_420 {strides = array<i32>} : memref<1x1025x384xf32, #tpu.memory_space<vmem>>, vector<1x1025x384xf32>,
    %get3A_421 = arith.constant 0 : index
    %get3A_422 = arith.constant 0 : index
    %get3A_423 = arith.constant 288 : index
    %get3A_424 = vector.load %arg1[%get3A_421, %get3A_422, %get3A_423] : memref<1x1025x1152xf32, #tpu.memory_space<vmem>>, vector<1x1025x48xf32>
    %get3A_425 = vector.shape_cast %get3A_424 : vector<1x1025x48xf32> to vector<1025x48xf32>
    %mul3A_426 = arith.constant 0.144337565 : f32
    %mul3A_427 = vector.broadcast %mul3A_426 : f32 to vector<1025x48xf32>
    %mul3A_428 = arith.mulf %get3A_425, %mul3A_427 : vector<1025x48xf32>
    %convert_element_type3A_429 = arith.truncf %mul3A_428 : vector<1025x48xf32> to vector<1025x48xbf16>
    %get3A_430 = arith.constant 0 : index
    %get3A_431 = arith.constant 0 : index
    %get3A_432 = arith.constant 672 : index
    %get3A_433 = vector.load %arg1[%get3A_430, %get3A_431, %get3A_432] : memref<1x1025x1152xf32, #tpu.memory_space<vmem>>, vector<1x1025x48xf32>
    %get3A_434 = vector.shape_cast %get3A_433 : vector<1x1025x48xf32> to vector<1025x48xf32>
    %convert_element_type3A_435 = arith.truncf %get3A_434 : vector<1025x48xf32> to vector<1025x48xbf16>
    %get3A_436 = arith.constant 0 : index
    %get3A_437 = arith.constant 0 : index
    %get3A_438 = arith.constant 1056 : index
    %get3A_439 = vector.load %arg1[%get3A_436, %get3A_437, %get3A_438] : memref<1x1025x1152xf32, #tpu.memory_space<vmem>>, vector<1x1025x48xf32>
    %get3A_440 = vector.shape_cast %get3A_439 : vector<1x1025x48xf32> to vector<1025x48xf32>
    %convert_element_type3A_441 = arith.truncf %get3A_440 : vector<1025x48xf32> to vector<1025x48xbf16>
    %concatenate3A_442 = tpu.concatenate %convert_element_type3A_441, %broadcast_in_dim3A_4 in 1 : vector<1025x48xbf16>, vector<1025x1xbf16> -> vector<1025x49xbf16>
    %mul3A_443 = vector.broadcast %convert_element_type3A : vector<1025x1xbf16> to vector<1025x49xbf16>
    %mul3A_444 = arith.mulf %concatenate3A_442, %mul3A_443 : vector<1025x49xbf16>
    %dot_general3A_445 = arith.constant dense<0.000000e+00> : vector<1025x1025xf32>
    %dot_general3A_446 = tpu.matmul %convert_element_type3A_429, %convert_element_type3A_435, %dot_general3A_445 {dimension_numbers = #tpu.dot_dimension_numbers<[1], [1], [0], [0], [0, 0, 1, 0], [], []>, transpose_lhs_hint = false} : vector<1025x48xbf16>, vector<1025x48xbf16>, vector<1025x1025xf32> -> vector<1025x1025xf32>
    %convert_element_type3A_447 = arith.truncf %dot_general3A_446 : vector<1025x1025xf32> to vector<1025x1025xbf16>
    %exp3A_448 = math.exp %convert_element_type3A_447 : vector<1025x1025xbf16>
    %dot_general3A_449 = arith.constant dense<0.000000e+00> : vector<1025x49xf32>
    %dot_general3A_450 = tpu.matmul %exp3A_448, %concatenate3A_442, %dot_general3A_449 {dimension_numbers = #tpu.dot_dimension_numbers<[1], [0], [0], [1], [0, 0, 1, 1], [], []>, transpose_lhs_hint = false} : vector<1025x1025xbf16>, vector<1025x49xbf16>, vector<1025x49xf32> -> vector<1025x49xf32>
    %dot_general3A_451 = arith.constant dense<0.000000e+00> : vector<1025x49xf32>
    %dot_general3A_452 = tpu.matmul %exp3A_448, %mul3A_444, %dot_general3A_451 {dimension_numbers = #tpu.dot_dimension_numbers<[1], [0], [0], [1], [0, 0, 1, 1], [], []>, transpose_lhs_hint = false} : vector<1025x1025xbf16>, vector<1025x49xbf16>, vector<1025x49xf32> -> vector<1025x49xf32>
    %slice3A_453 = vector.extract_strided_slice %dot_general3A_450 {offsets = [0, 48], sizes = [1025, 1], strides = [1, 1]} : vector<1025x49xf32> to vector<1025x1xf32>
    %add3A_454 = arith.constant 9.99999993E-9 : f32
    %add3A_455 = vector.broadcast %add3A_454 : f32 to vector<1025x1xf32>
    %add3A_456 = arith.addf %slice3A_453, %add3A_455 : vector<1025x1xf32>
    %div3A_457 = arith.divf %reshape3A, %add3A_456 : vector<1025x1xf32>
    %sub3A_458 = arith.constant 1.000000e+00 : f32
    %sub3A_459 = vector.broadcast %sub3A_458 : f32 to vector<1025x1xf32>
    %sub3A_460 = arith.subf %sub3A_459, %reshape3A : vector<1025x1xf32>
    %slice3A_461 = vector.extract_strided_slice %dot_general3A_452 {offsets = [0, 48], sizes = [1025, 1], strides = [1, 1]} : vector<1025x49xf32> to vector<1025x1xf32>
    %add3A_462 = arith.constant 9.99999993E-9 : f32
    %add3A_463 = vector.broadcast %add3A_462 : f32 to vector<1025x1xf32>
    %add3A_464 = arith.addf %slice3A_461, %add3A_463 : vector<1025x1xf32>
    %div3A_465 = arith.divf %sub3A_460, %add3A_464 : vector<1025x1xf32>
    %slice3A_466 = vector.extract_strided_slice %dot_general3A_450 {offsets = [0, 0], sizes = [1025, 48], strides = [1, 1]} : vector<1025x49xf32> to vector<1025x48xf32>
    %mul3A_467 = vector.broadcast %div3A_457 : vector<1025x1xf32> to vector<1025x48xf32>
    %mul3A_468 = arith.mulf %slice3A_466, %mul3A_467 : vector<1025x48xf32>
    %slice3A_469 = vector.extract_strided_slice %dot_general3A_452 {offsets = [0, 0], sizes = [1025, 48], strides = [1, 1]} : vector<1025x49xf32> to vector<1025x48xf32>
    %mul3A_470 = vector.broadcast %div3A_465 : vector<1025x1xf32> to vector<1025x48xf32>
    %mul3A_471 = arith.mulf %slice3A_469, %mul3A_470 : vector<1025x48xf32>
    %add3A_472 = arith.addf %mul3A_468, %mul3A_471 : vector<1025x48xf32>
    %get3A_473 = arith.constant 6 : index
    %get3A_474 = arith.constant 0 : index
    %get3A_475 = arith.constant 0 : index
    %get3A_476 = vector.load %arg3[%get3A_473, %get3A_474, %get3A_475] : memref<8x48x384xf32, #tpu.memory_space<vmem>>, vector<1x48x384xf32>
    %get3A_477 = vector.shape_cast %get3A_476 : vector<1x48x384xf32> to vector<48x384xf32>
    %dot_general3A_478 = arith.constant dense<0.000000e+00> : vector<1025x384xf32>
    %dot_general3A_479 = tpu.matmul %add3A_472, %get3A_477, %dot_general3A_478 {dimension_numbers = #tpu.dot_dimension_numbers<[1], [0], [0], [1], [0, 0, 1, 1], [], []>, transpose_lhs_hint = false} : vector<1025x48xf32>, vector<48x384xf32>, vector<1025x384xf32> -> vector<1025x384xf32>
    %get3A_480 = arith.constant 0 : index
    %get3A_481 = arith.constant 0 : index
    %get3A_482 = arith.constant 0 : index
    %get3A_483 = vector.load %arg5[%get3A_480, %get3A_481, %get3A_482] : memref<1x1025x384xf32, #tpu.memory_space<vmem>>, vector<1x1025x384xf32>
    %get3A_484 = vector.shape_cast %get3A_483 : vector<1x1025x384xf32> to vector<1025x384xf32>
    %add3A_485 = arith.addf %get3A_484, %dot_general3A_479 : vector<1025x384xf32>
    %swap3A_486 = arith.constant 0 : index
    %swap3A_487 = arith.constant 0 : index
    %swap3A_488 = arith.constant 0 : index
    %swap3A_489 = vector.load %arg5[%swap3A_486, %swap3A_487, %swap3A_488] : memref<1x1025x384xf32, #tpu.memory_space<vmem>>, vector<1x1025x384xf32>
    %swap3A_490 = vector.shape_cast %swap3A_489 : vector<1x1025x384xf32> to vector<1025x384xf32>
    %swap3A_491 = vector.shape_cast %add3A_485 : vector<1025x384xf32> to vector<1x1025x384xf32>
    tpu.vector_store %arg5[%swap3A_486, %swap3A_487, %swap3A_488], %swap3A_491 {strides = array<i32>} : memref<1x1025x384xf32, #tpu.memory_space<vmem>>, vector<1x1025x384xf32>,
    %get3A_492 = arith.constant 0 : index
    %get3A_493 = arith.constant 0 : index
    %get3A_494 = arith.constant 336 : index
    %get3A_495 = vector.load %arg1[%get3A_492, %get3A_493, %get3A_494] : memref<1x1025x1152xf32, #tpu.memory_space<vmem>>, vector<1x1025x48xf32>
    %get3A_496 = vector.shape_cast %get3A_495 : vector<1x1025x48xf32> to vector<1025x48xf32>
    %mul3A_497 = arith.constant 0.144337565 : f32
    %mul3A_498 = vector.broadcast %mul3A_497 : f32 to vector<1025x48xf32>
    %mul3A_499 = arith.mulf %get3A_496, %mul3A_498 : vector<1025x48xf32>
    %convert_element_type3A_500 = arith.truncf %mul3A_499 : vector<1025x48xf32> to vector<1025x48xbf16>
    %get3A_501 = arith.constant 0 : index
    %get3A_502 = arith.constant 0 : index
    %get3A_503 = arith.constant 720 : index
    %get3A_504 = vector.load %arg1[%get3A_501, %get3A_502, %get3A_503] : memref<1x1025x1152xf32, #tpu.memory_space<vmem>>, vector<1x1025x48xf32>
    %get3A_505 = vector.shape_cast %get3A_504 : vector<1x1025x48xf32> to vector<1025x48xf32>
    %convert_element_type3A_506 = arith.truncf %get3A_505 : vector<1025x48xf32> to vector<1025x48xbf16>
    %get3A_507 = arith.constant 0 : index
    %get3A_508 = arith.constant 0 : index
    %get3A_509 = arith.constant 1104 : index
    %get3A_510 = vector.load %arg1[%get3A_507, %get3A_508, %get3A_509] : memref<1x1025x1152xf32, #tpu.memory_space<vmem>>, vector<1x1025x48xf32>
    %get3A_511 = vector.shape_cast %get3A_510 : vector<1x1025x48xf32> to vector<1025x48xf32>
    %convert_element_type3A_512 = arith.truncf %get3A_511 : vector<1025x48xf32> to vector<1025x48xbf16>
    %concatenate3A_513 = tpu.concatenate %convert_element_type3A_512, %broadcast_in_dim3A_4 in 1 : vector<1025x48xbf16>, vector<1025x1xbf16> -> vector<1025x49xbf16>
    %mul3A_514 = vector.broadcast %convert_element_type3A : vector<1025x1xbf16> to vector<1025x49xbf16>
    %mul3A_515 = arith.mulf %concatenate3A_513, %mul3A_514 : vector<1025x49xbf16>
    %dot_general3A_516 = arith.constant dense<0.000000e+00> : vector<1025x1025xf32>
    %dot_general3A_517 = tpu.matmul %convert_element_type3A_500, %convert_element_type3A_506, %dot_general3A_516 {dimension_numbers = #tpu.dot_dimension_numbers<[1], [1], [0], [0], [0, 0, 1, 0], [], []>, transpose_lhs_hint = false} : vector<1025x48xbf16>, vector<1025x48xbf16>, vector<1025x1025xf32> -> vector<1025x1025xf32>
    %convert_element_type3A_518 = arith.truncf %dot_general3A_517 : vector<1025x1025xf32> to vector<1025x1025xbf16>
    %exp3A_519 = math.exp %convert_element_type3A_518 : vector<1025x1025xbf16>
    %dot_general3A_520 = arith.constant dense<0.000000e+00> : vector<1025x49xf32>
    %dot_general3A_521 = tpu.matmul %exp3A_519, %concatenate3A_513, %dot_general3A_520 {dimension_numbers = #tpu.dot_dimension_numbers<[1], [0], [0], [1], [0, 0, 1, 1], [], []>, transpose_lhs_hint = false} : vector<1025x1025xbf16>, vector<1025x49xbf16>, vector<1025x49xf32> -> vector<1025x49xf32>
    %dot_general3A_522 = arith.constant dense<0.000000e+00> : vector<1025x49xf32>
    %dot_general3A_523 = tpu.matmul %exp3A_519, %mul3A_515, %dot_general3A_522 {dimension_numbers = #tpu.dot_dimension_numbers<[1], [0], [0], [1], [0, 0, 1, 1], [], []>, transpose_lhs_hint = false} : vector<1025x1025xbf16>, vector<1025x49xbf16>, vector<1025x49xf32> -> vector<1025x49xf32>
    %slice3A_524 = vector.extract_strided_slice %dot_general3A_521 {offsets = [0, 48], sizes = [1025, 1], strides = [1, 1]} : vector<1025x49xf32> to vector<1025x1xf32>
    %add3A_525 = arith.constant 9.99999993E-9 : f32
    %add3A_526 = vector.broadcast %add3A_525 : f32 to vector<1025x1xf32>
    %add3A_527 = arith.addf %slice3A_524, %add3A_526 : vector<1025x1xf32>
    %div3A_528 = arith.divf %reshape3A, %add3A_527 : vector<1025x1xf32>
    %sub3A_529 = arith.constant 1.000000e+00 : f32
    %sub3A_530 = vector.broadcast %sub3A_529 : f32 to vector<1025x1xf32>
    %sub3A_531 = arith.subf %sub3A_530, %reshape3A : vector<1025x1xf32>
    %slice3A_532 = vector.extract_strided_slice %dot_general3A_523 {offsets = [0, 48], sizes = [1025, 1], strides = [1, 1]} : vector<1025x49xf32> to vector<1025x1xf32>
    %add3A_533 = arith.constant 9.99999993E-9 : f32
    %add3A_534 = vector.broadcast %add3A_533 : f32 to vector<1025x1xf32>
    %add3A_535 = arith.addf %slice3A_532, %add3A_534 : vector<1025x1xf32>
    %div3A_536 = arith.divf %sub3A_531, %add3A_535 : vector<1025x1xf32>
    %slice3A_537 = vector.extract_strided_slice %dot_general3A_521 {offsets = [0, 0], sizes = [1025, 48], strides = [1, 1]} : vector<1025x49xf32> to vector<1025x48xf32>
    %mul3A_538 = vector.broadcast %div3A_528 : vector<1025x1xf32> to vector<1025x48xf32>
    %mul3A_539 = arith.mulf %slice3A_537, %mul3A_538 : vector<1025x48xf32>
    %slice3A_540 = vector.extract_strided_slice %dot_general3A_523 {offsets = [0, 0], sizes = [1025, 48], strides = [1, 1]} : vector<1025x49xf32> to vector<1025x48xf32>
    %mul3A_541 = vector.broadcast %div3A_536 : vector<1025x1xf32> to vector<1025x48xf32>
    %mul3A_542 = arith.mulf %slice3A_540, %mul3A_541 : vector<1025x48xf32>
    %add3A_543 = arith.addf %mul3A_539, %mul3A_542 : vector<1025x48xf32>
    %get3A_544 = arith.constant 7 : index
    %get3A_545 = arith.constant 0 : index
    %get3A_546 = arith.constant 0 : index
    %get3A_547 = vector.load %arg3[%get3A_544, %get3A_545, %get3A_546] : memref<8x48x384xf32, #tpu.memory_space<vmem>>, vector<1x48x384xf32>
    %get3A_548 = vector.shape_cast %get3A_547 : vector<1x48x384xf32> to vector<48x384xf32>
    %dot_general3A_549 = arith.constant dense<0.000000e+00> : vector<1025x384xf32>
    %dot_general3A_550 = tpu.matmul %add3A_543, %get3A_548, %dot_general3A_549 {dimension_numbers = #tpu.dot_dimension_numbers<[1], [0], [0], [1], [0, 0, 1, 1], [], []>, transpose_lhs_hint = false} : vector<1025x48xf32>, vector<48x384xf32>, vector<1025x384xf32> -> vector<1025x384xf32>
    %get3A_551 = arith.constant 0 : index
    %get3A_552 = arith.constant 0 : index
    %get3A_553 = arith.constant 0 : index
    %get3A_554 = vector.load %arg5[%get3A_551, %get3A_552, %get3A_553] : memref<1x1025x384xf32, #tpu.memory_space<vmem>>, vector<1x1025x384xf32>
    %get3A_555 = vector.shape_cast %get3A_554 : vector<1x1025x384xf32> to vector<1025x384xf32>
    %add3A_556 = arith.addf %get3A_555, %dot_general3A_550 : vector<1025x384xf32>
    %swap3A_557 = arith.constant 0 : index
    %swap3A_558 = arith.constant 0 : index
    %swap3A_559 = arith.constant 0 : index
    %swap3A_560 = vector.load %arg5[%swap3A_557, %swap3A_558, %swap3A_559] : memref<1x1025x384xf32, #tpu.memory_space<vmem>>, vector<1x1025x384xf32>
    %swap3A_561 = vector.shape_cast %swap3A_560 : vector<1x1025x384xf32> to vector<1025x384xf32>
    %swap3A_562 = vector.shape_cast %add3A_556 : vector<1025x384xf32> to vector<1x1025x384xf32>
    tpu.vector_store %arg5[%swap3A_557, %swap3A_558, %swap3A_559], %swap3A_562 {strides = array<i32>} : memref<1x1025x384xf32, #tpu.memory_space<vmem>>, vector<1x1025x384xf32>,
    return
  }
  func.func @transform_0(%arg0: i32) -> (i32, i32, i32) {
    %c0_i32 = arith.constant 0 : i32
    %c0_i32_0 = arith.constant 0 : i32
    %c0_i32_1 = arith.constant 0 : i32
    return %arg0, %c0_i32, %c0_i32_0 : i32, i32, i32
  }
  func.func @transform_1(%arg0: i32) -> (i32, i32, i32) {
    %c0_i32 = arith.constant 0 : i32
    %c0_i32_0 = arith.constant 0 : i32
    %c0_i32_1 = arith.constant 0 : i32
    return %arg0, %c0_i32, %c0_i32_0 : i32, i32, i32
  }
  func.func @transform_2(%arg0: i32) -> (i32, i32, i32) {
    %c0_i32 = arith.constant 0 : i32
    %c0_i32_0 = arith.constant 0 : i32
    %c0_i32_1 = arith.constant 0 : i32
    %c0_i32_2 = arith.constant 0 : i32
    return %c0_i32, %c0_i32_0, %c0_i32_1 : i32, i32, i32
  }
  func.func @transform_3(%arg0: i32) -> (i32, i32) {
    %c0_i32 = arith.constant 0 : i32
    %c0_i32_0 = arith.constant 0 : i32
    %c0_i32_1 = arith.constant 0 : i32
    return %c0_i32, %c0_i32_0 : i32, i32
  }
  func.func @transform_4(%arg0: i32) -> (i32, i32, i32) {
    %c0_i32 = arith.constant 0 : i32
    %c0_i32_0 = arith.constant 0 : i32
    %c0_i32_1 = arith.constant 0 : i32
    return %arg0, %c0_i32, %c0_i32_0 : i32, i32, i32
  }
}

</mosaic_0001>

<sc_bundles>
// kernel: kernel.5.cloned.1.call-start
scs
__scs_entry_jumppad:
0x0: {  	(pc) =	sbr.rel $0x88, $3  }
0x1: {  	(tag) =	ssettag $0x0;
	lr =	simm.s32 $0x1  }
0x2: {  	[smem:$0x3F9B] =	sst lr;
	_ =	strace $0xD0000000  }
0x3: {  	_ = 	snop  }
0x4: {  	_ = 	snop  }
0x5: {  	_ = 	snop  }
0x6: {  	_ = 	snop  }
0x7: {  	_ = 	snop  }
__scs_overlays_trampoline_lowered:
0x8: {  	[smem:$0x3FAA] =	sst s0  }
0x9: {  	[smem:$0x3FAB] =	sst s1  }
0xa: {  	[smem:$0x3FAC] =	sst s2  }
0xb: {  	[smem:$0x3FAD] =	sst s3  }
0xc: {  	[smem:$0x3FAE] =	sst s4  }
0xd: {  	[smem:$0x3FAF] =	sst s5  }
0xe: {  	[smem:$0x3FB0] =	sst s6  }
0xf: {  	[smem:$0x3FB1] =	sst s7  }
0x10: {  	[smem:$0x3FB2] =	sst s8  }
0x11: {  	[smem:$0x3FB3] =	sst s9;
	s0 =	simm.s32 @!p0 $0x0  }
0x12: {  	s1 =	sld [smem:$0x3F99];
	s0 =	simm.s32 @p0 $0x1  }
0x13: {  	[smem:$0x3FB4] =	sst s0;
	s0 =	simm.s32 @!p1 $0x0  }
0x14: {  	s2 =	sld [smem:$0x3F98];
	s0 =	simm.s32 @p1 $0x1  }
0x15: {  	[smem:$0x3FB5] =	sst s0;
	s0 =	simm.s32 @!p2 $0x0  }
0x16: {  	s3 =	sld [smem:$0x3FDB];
	s0 =	simm.s32 @p2 $0x1  }
0x17: {  	s4 =	simm.s32 $0x1BF5;
	[smem:$0x3FB7] =	sst s0  }
0x18: {  	s0 =	sld [smem:$0x3F9A];
	_ =	swait.ge [sflag:s4], $0x0  }
0x19: {  	s7 =	sld [smem:$0x3F9B]  }
0x1a: {  	s8 =	sadd.s32 $0xFFFFE003, lr  }
0x1b: {  	s9 =	sadd.s32 $0xFFFFFEF7, lr;
	s5 =	simm.s32 $0xFFFFFFFF;
	p2 =	slt.u32 s8, $0xFFFFF086  }
0x1c: {  	p1 =	slt.u32 s9, $0xF7A;
	s5 =	simm.s32 @!p2 $0x0  }
0x1d: {  	s5 =	simm.s32 @p1 $0x1;
	p0 =	seq.s32 s7, s2  }
0x1e: {  	s7 =	smul.u32 @!p0 $0xF7A, s2;
	p2 =	seq.s32 @!p0 s5, $0x0  }
0x1f: {  	s9 =	smul.u32 $0xF7A, s1;
	s8 =	simm.s32 @!p0 $0x1BF5;
	p2 =	por !p2, p0  }
0x20: {  	[sflag:s8] =	ssyncset.s32 @!p0 $0xFFFFF086;
	s6 =	sadd.s32 @!p0 s3, s7;
	s7 =	simm.s32 @!p0 $0x108  }
0x21: {  	s3 =	sadd.s32 s3, s9;
	s6 =	sadd.s32 @!p0 $0x88, s6;
	s7 =	simm.s32 @p2 $0x1082  }
0x22: {  	[simem:s7], [sflag:s8] =	dma.local @!p0 [hbm:s6], $0xF7A  }
0x23: {  	s9 =	sor.u32 $0xD0000000, s2;
	s6 =	simm.s32 $0x108;
	_ =	swait.ge @!p0 [sflag:s8], $0x0  }
0x24: {  	s3 =	sadd.s32 $0x88, s3;
	s6 =	simm.s32 @!p1 $0x1082;
	[sflag:s4] =	ssyncset.s32 $0xFFFFF086  }
0x25: {  	[simem:s6], [sflag:s4] =	dma.local [hbm:s3], $0xF7A  }
0x26: {  	[smem:$0x3F9B] =	sst s1;
	(tag) =	ssettag s2;
	_ =	strace s9  }
0x27: {  	s1 =	sld [smem:$0x3FAB]  }
0x28: {  	s2 =	sld [smem:$0x3FAC]  }
0x29: {  	s4 =	sld [smem:$0x3FAE]  }
0x2a: {  	p0 =	seq.s32 s5, $0x0;
	s5 =	sld [smem:$0x3FAF]  }
0x2b: {  	s6 =	sld [smem:$0x3FB0]  }
0x2c: {  	s7 =	sld [smem:$0x3FB1]  }
0x2d: {  	s3 =	simm.s32 $0x108;
	s8 =	sld [smem:$0x3FB2]  }
0x2e: {  	s3 =	simm.s32 @!p0 $0x1082;
	s9 =	sld [smem:$0x3FB3]  }
0x2f: {  	lr =	sadd.s32 s0, s3;
	s0 =	sld [smem:$0x3FAA]  }
0x30: {  	s3 =	sld [smem:$0x3FAD]  }
0x31: {  	[smem:$0x3FB6] =	sst s10  }
0x32: {  	s10 =	sld [smem:$0x3FB4];
	_ =	sdelay $0x3  }
0x33: {  	p0 =	seq.s32 s10, $0x1;
	s10 =	sld [smem:$0x3FB6];
	_ =	sdelay $0x3  }
0x34: {  	[smem:$0x3FB6] =	sst s10  }
0x35: {  	s10 =	sld [smem:$0x3FB5];
	_ =	sdelay $0x3  }
0x36: {  	p1 =	seq.s32 s10, $0x1;
	s10 =	sld [smem:$0x3FB6];
	_ =	sdelay $0x3  }
0x37: {  	[smem:$0x3FB6] =	sst s10  }
0x38: {  	s10 =	sld [smem:$0x3FB7]  }
0x39: {  	_ = 	snop;
	(pc) =	sbr.ind lr, $3  }
0x3a: {  	_ = 	snop  }
0x3b: {  	_ = 	snop  }
0x3c: {  	p2 =	seq.s32 s10, $0x1;
	s10 =	sld [smem:$0x3FB6]  }
0x3d: {  	_ =	shalt  }
0x3e: {  	_ =	shalt  }
0x3f: {  	_ =	shalt  }
0x40: {  	_ =	shalt  }
0x41: {  	_ =	shalt  }
0x42: {  	_ =	shalt  }
0x43: {  	_ =	shalt  }
0x44: {  	_ =	shalt  }
0x45: {  	_ =	shalt  }
0x46: {  	_ =	shalt  }
0x47: {  	_ =	shalt  }
0x48: {  	_ =	shalt  }
0x49: {  	_ =	shalt  }
0x4a: {  	_ =	shalt  }
0x4b: {  	_ =	shalt  }
0x4c: {  	_ =	shalt  }
0x4d: {  	_ =	shalt  }
0x4e: {  	_ =	shalt  }
0x4f: {  	_ =	shalt  }
0x50: {  	_ =	shalt  }
0x51: {  	_ =	shalt  }
0x52: {  	_ =	shalt  }
0x53: {  	_ =	shalt  }
0x54: {  	_ =	shalt  }
0x55: {  	_ =	shalt  }
0x56: {  	_ =	shalt  }
0x57: {  	_ =	shalt  }
0x58: {  	_ =	shalt  }
0x59: {  	_ =	shalt  }
0x5a: {  	_ =	shalt  }
0x5b: {  	_ =	shalt  }
0x5c: {  	_ =	shalt  }
0x5d: {  	_ =	shalt  }
0x5e: {  	_ =	shalt  }
0x5f: {  	_ =	shalt  }
0x60: {  	_ =	shalt  }
0x61: {  	_ =	shalt  }
0x62: {  	_ =	shalt  }
0x63: {  	_ =	shalt  }
0x64: {  	_ =	shalt  }
0x65: {  	_ =	shalt  }
0x66: {  	_ =	shalt  }
0x67: {  	_ =	shalt  }
0x68: {  	_ =	shalt  }
0x69: {  	_ =	shalt  }
0x6a: {  	_ =	shalt  }
0x6b: {  	_ =	shalt  }
0x6c: {  	_ =	shalt  }
0x6d: {  	_ =	shalt  }
0x6e: {  	_ =	shalt  }
0x6f: {  	_ =	shalt  }
0x70: {  	_ =	shalt  }
0x71: {  	_ =	shalt  }
0x72: {  	_ =	shalt  }
0x73: {  	_ =	shalt  }
0x74: {  	_ =	shalt  }
0x75: {  	_ =	shalt  }
0x76: {  	_ =	shalt  }
0x77: {  	_ =	shalt  }
0x78: {  	_ =	shalt  }
0x79: {  	_ =	shalt  }
0x7a: {  	_ =	shalt  }
0x7b: {  	_ =	shalt  }
0x7c: {  	_ =	shalt  }
0x7d: {  	_ =	shalt  }
0x7e: {  	_ =	shalt  }
0x7f: {  	_ =	shalt  }
0x80: {  	_ =	shalt  }
0x81: {  	_ =	shalt  }
0x82: {  	_ =	shalt  }
0x83: {  	_ =	shalt  }
0x84: {  	_ =	shalt  }
0x85: {  	_ =	shalt  }
0x86: {  	_ =	shalt  }
0x87: {  	_ =	shalt  }
.Lfunc_end0:
.L_simem_size_0:
called_computation_lowered:
.L_overlay_start_0:
0x88: {  	s2 =	sld [smem:$0x3FD9]  }
0x89: {  	s3 =	sld [smem:$0x3FFE];
	_ =	sdelay $0x1  }
0x8a: {  	s1 =	srdreg.scid  }
0x8b: {  	s0 =	sand.u32 $0x1, s1  }
0x8c: {  	s14 =	sshll.u32 s0, $0xA;
	s2 =	sadd.s32 s3, s2  }
0x8d: {  	s2 =	sadd.s32 s2, s14  }
0x8e: {  	[smem:$0x3FC2] =	sst s2  }
0x8f: {  	_ = 	snop  }
0x90: {  	s2 =	sld [smem:$0x3FD0];
	_ =	sdelay $0x2  }
0x91: {  	s15 =	simm.s32 $0xA;
	s4 =	simm.s32 $0x10  }
0x92: {  	[smem:s4], [sflag:s15] =	dma.local [hbm:s2], $0x1  }
0x93: {  	_ =	swait.eq [sflag:s15], $0x1  }
0x94: {  	[sflag:s15] =	ssyncset.done $0x0  }
0x95: {  	s16 =	sld [smem:$0x10];
	[sflag:s15] =	ssyncadd.s32 $0xFFFFFFFF  }
0x96: {  	s17 =	sld [smem:$0x11];
	(tm) =	ssettm $0x1  }
0x97: {  	s18 =	sld [smem:$0x3FFB];
	_ =	sdelay $0x3  }
0x98: {  	_ =	strace s18  }
0x99: {  	s4 =	sld [smem:$0x3FFC];
	_ =	sdelay $0x3  }
0x9a: {  	_ =	strace s4  }
0x9b: {  	s4 =	sld [smem:$0x3FFD];
	_ =	sdelay $0x3  }
0x9c: {  	_ =	strace s4  }
0x9d: {  	_ =	strace $0x8FFFFFFF  }
0x9e: {  	s19 =	sld [smem:$0x3FDB];
	_ =	sdelay $0x1  }
0x9f: {  	s5 =	simm.s32 $_scs_section_size  }
0xa0: {  	s6 =	simm.s32 $_size__tile_overlayer_lowered;
	s7 =	simm.s32 $_tile_overlayer_lowered  }
0xa1: {  	s22 =	simm.s32 $0x1BFF;
	s21 =	sshll.u32 s7, $0x1;
	s4 =	sadd.s32 s5, s19  }
0xa2: {  	s8 =	simm.s32 $0x0;
	s20 =	sshll.u32 s6, $0x1;
	s6 =	sadd.s32 s21, s4  }
0xa3: {  	[timem:s8], [sflag:s22] =	dma.local [hbm:s6], s20  }
0xa4: {  	_ =	swait.ge [sflag:s22], s20  }
0xa5: {  	s5 =	ssub.s32 $0x0, s20;
	[sflag:s22] =	ssyncset.done $0x0  }
0xa6: {  	[sflag:s22] =	ssyncadd.s32 s5;
	_ =	sdelay $0x1  }
0xa7: {  	s23 =	simm.s32 $0x1B8B  }
0xa8: {  	_ =	swait.ge [sflag:s23], $0x1  }
0xa9: {  	[sflag:s23] =	ssyncset.done $0x0  }
0xaa: {  	s25 =	simm.s32 $0x1B8E;
	s24 =	sld [smem:$0x3FFE];
	[sflag:s23] =	ssyncadd.s32 $0xFFFFFFFF  }
0xab: {  	s26 =	simm.s32 $execute0_lowered;
	[smem:$0x3FD2] =	sst s25  }
0xac: {  	s6 =	sshll.u32 s26, $0x1;
	_ =	strace $0x80000046;
	[dreg:$0x1] =	wrdreg $0xFFFFFFFF  }
0xad: {  	s28 =	simm.s32 $_size_execute0_lowered;
	s4 =	sadd.s32 s4, s6;
	[dreg:$0x0] =	wrdreg $0x0  }
0xae: {  	s6 =	sshll.u32 s28, $0x1;
	[dreg:$0x2] =	wrdreg s4  }
0xaf: {  	[dreg:$0x3] =	wrdreg s6  }
0xb0: {  	[dreg:$0x4] =	wrdreg $0xC0  }
0xb1: {  	_ =	task [dreg:s8], $0x5FFFF  }
0xb2: {  	[dreg:$0x1] =	wrdreg $0xFFFFFFFF  }
0xb3: {  	[dreg:$0x0] =	wrdreg $0x60  }
0xb4: {  	[dreg:$0x2] =	wrdreg s17  }
0xb5: {  	[dreg:$0x3] =	wrdreg s16  }
0xb6: {  	[dreg:$0x4] =	wrdreg s24  }
0xb7: {  	[dreg:$0x5] =	wrdreg $0x9  }
0xb8: {  	_ =	task.clear_ibuf [dreg:s8], $0x6FFFF;
	_ =	strace $0x90000046  }
0xb9: {  	s29 =	simm.s32 $0x9;
	_ =	strace $0x80000048  }
0xba: {  	_ =	swait.ge [sflag:s29], $0x1  }
0xbb: {  	[sflag:s29] =	ssyncadd.s32 $0xFFFFFFFF  }
0xbc: {  	_ =	strace $0x90000048  }
0xbd: {  	_ =	sfence  }
0xbe: {  	s30 =	sld [smem:$0x0];
	_ =	sdelay $0x2  }
0xbf: {  	s31 =	sshll.u32 s1, $0xD;
	s1 =	sshrl.u32 s1, $0x2  }
0xc0: {  	s3 =	sand.u32 $0x4000, s31;
	s1 =	sadd.s32 s1, s30  }
0xc1: {  	s0 =	sor.u32 s3, s0;
	s1 =	sshll.u32 s1, $0x11  }
0xc2: {  	s0 =	sor.u32 s1, s0  }
0xc3: {  	s0 =	sadd.s32 $0x8F2B, s0  }
0xc4: {  	[sflag:s0] =	ssyncadd.remote.s32 $0x1  }
0xc5: {  	_ =	sfence.sel $0xFFFF  }
0xc6: {  	[dreg:$0x0] =	wrdreg $0xFFFFFFFF;
	(pc) =	sbr.abs _section_cstart, $3  }
0xc7: {  	[dreg:$0x1] =	wrdreg $0xFFFFFFFF  }
0xc8: {  	_ =	task.clear_ibuf [dreg:s8], $0x2FFFF;
	_ =	strace $0x9FFFFFFF  }
0xc9: {  	(tm) =	ssettm $0x7FFFFFFF  }
tec
execute0_lowered:
.L_overlay_start_1:
0x0: {  	(tag) =	ssettag $0x1  }
0x1: {  	s5 =	rddreg [dreg:$0x0]  }
0x2: {  	s1 =	rddreg [dreg:$0x1]  }
0x3: {  	s4 =	rddreg [dreg:$0x2]  }
0x4: {  	s0 =	rddreg [dreg:$0x3];
	s3 =	simm.s32 $0x0  }
0x5: {  	s6 =	srdreg.scid;
	s2 =	stileid.u32;
	s9 =	simm.s32 $0x400  }
0x6: {  	s10 =	simm.s32 $0x1;
	s11 =	simm.s32 $0x40000000;
	s13 =	simm.s32 $0x2880  }
0x7: {  	s14 =	simm.s32 $0x0;
	[smem:$0x7FF] =	sst s3;
	s7 =	sand.u32 $0x1, s6  }
0x8: {  	p1 =	slt.u32 s2, $0x8;
	s4 =	sadd.s32 $0x123800, s4;
	s31 =	sshll.u32 s2, $0x4  }
.Ltmp0:
0x9: {  	_ =	strace $0x80000047;
	s6 =	ssub.s32 $0x2, s7;
	(pc) =	sbr.rel .LBB2_1-.Ltmp0, $4  }
0xa: {  	p0 =	seq.s32 s7, $0x0;
	s5 =	sadd.s32 s5, s31;
	s12 =	sor.u32 s2, s7  }
0xb: {  	s8 =	sshrl.u32 s6, $0x1;
	p0 =	por !p0, !p1;
	p1 =	sne.s32 s12, $0x0  }
0xc: {  	s12 =	simm.s32 $0x880;
	s8 =	ssub.s32 s6, s8;
	p0 =	por !p0, !p0  }
0xd: {  	v0 =	vimm.s32 $0x0;
	v1 =	vimm.f32 $0.0e+00;
	s6 =	sadd.s32 s1, s31;
	s7 =	smax.u32 s8, $0x1;
	s8 =	simm.s32 $0x80  }
.LBB2_11:
.Ltmp1:
0xe: {  	(pc) =	sbr.rel @!p1 .LBB2_12-.Ltmp1, $2  }
0xf: {  	_ =	sdelay $0x1  }
0x10: {  	[bflag:$0x0] =	sbarrier.arrive $0xFFFF;
	_ =	sdelay $0x1  }
.LBB2_15:
0x11: {  	s14 =	sadd.s32 $0x1, s14  }
0x12: {  	p2 =	sne.s32 s14, s7  }
.Ltmp2:
0x13: {  	_ = 	snop;
	(pc) =	sbr.rel @!p2 .LBB2_16-.Ltmp2, $1  }
0x14: {  	_ =	sdelay $0x3  }
.LBB2_1:
.Ltmp3:
0x15: {  	(pc) =	sbr.rel @!p0 .LBB2_11-.Ltmp3, $1  }
0x16: {  	_ =	sdelay $0x3  }
0x17: {  	s15 =	simm.s32 $0x0  }
0x18: {  	[tilespmem:s15], [sflag:$0x1] =	stream.strided.gather [hbm4b:s5+s8], $0x400, s9, s8, $0x38;
	[tilespmem:$0x2C80] =	vst v63  }
0x19: {  	_ =	swait.ge [sflag:s10], $0x400  }
0x1a: {  	[sflag:s10] =	ssyncset.done $0x0  }
0x1b: {  	[sflag:s10] =	ssyncadd.s32 $0xFFFFFC00  }
0x1c: {  	p2 =	por $0x0, $0x0;
	s16 =	simm.s32 $0x0;
	[tilespmem:$0x800] =	vst v0  }
.LBB2_3:
0x1d: {  	s17 =	sshrl.u32 s11, s16;
	s19 =	simm.s32 $0x0  }
0x1e: {  	s17 =	sor.u32 s17, s15;
	v4 =	vld [tilespmem:s19+$0x0]  }
0x1f: {  	v2 =	vimm.s32 $0x0;
	s18 =	simm.s32 $0x40;
	v3 =	vmov s17  }
.LBB2_4:
0x20: {  	p3 =	sne.s32 s18, $0xFC0  }
.Ltmp4:
0x21: {  	_ = 	snop;
	(pc) =	sbr.rel @p3 .LBB2_4-.Ltmp4, $4  }
0x22: {  	_ = 	snop  }
0x23: {  	s19 =	sshra.s32 s18, $0x2;
	s18 =	sadd.s32 $0x40, s18;
	vm0 =	vge.s32 v4, v3  }
0x24: {  	v4 =	vld [tilespmem:s19+$0x0];
	v5 =	vsel vm0, $0x1, v0  }
0x25: {  	v2 =	vadd.s32 v5, v2  }
0x26: {  	_ =	sdelay $0x2  }
0x27: {  	vm0 =	vge.s32 v4, v3  }
0x28: {  	v3 =	vsel vm0, $0x1, v0  }
0x29: {  	v2 =	vadd.s32 v3, v2  }
0x2a: {  	(v2sf) =	vpush v2, $0x0  }
0x2b: {  	(v2sf) =	vpush v2, $0x1  }
0x2c: {  	(v2sf) =	vpush v2, $0x2  }
0x2d: {  	(v2sf) =	vpush v2, $0x3  }
0x2e: {  	(v2sf) =	vpush v2, $0x4  }
0x2f: {  	(v2sf) =	vpush v2, $0x5  }
0x30: {  	(v2sf) =	vpush v2, $0x6  }
0x31: {  	(v2sf) =	vpush v2, $0x7  }
0x32: {  	(v2sf) =	vpush v2, $0x8  }
0x33: {  	(v2sf) =	vpush v2, $0x9  }
0x34: {  	(v2sf) =	vpush v2, $0xA  }
0x35: {  	(v2sf) =	vpush v2, $0xB  }
0x36: {  	(v2sf) =	vpush v2, $0xC  }
0x37: {  	(v2sf) =	vpush v2, $0xD  }
0x38: {  	(v2sf) =	vpush v2, $0xE  }
0x39: {  	s18 =	spop (v2sf);
	(v2sf) =	vpush v2, $0xF  }
0x3a: {  	s19 =	spop (v2sf)  }
0x3b: {  	s18 =	sadd.s32 s19, s18;
	s29 =	spop (v2sf)  }
0x3c: {  	s18 =	sadd.s32 s29, s18;
	s30 =	spop (v2sf)  }
0x3d: {  	s18 =	sadd.s32 s30, s18;
	s31 =	spop (v2sf)  }
0x3e: {  	s18 =	sadd.s32 s31, s18;
	s20 =	spop (v2sf)  }
0x3f: {  	s18 =	sadd.s32 s20, s18;
	s21 =	spop (v2sf)  }
0x40: {  	s18 =	sadd.s32 s21, s18;
	s22 =	spop (v2sf)  }
0x41: {  	s18 =	sadd.s32 s22, s18;
	s23 =	spop (v2sf)  }
0x42: {  	s18 =	sadd.s32 s23, s18;
	s24 =	spop (v2sf)  }
0x43: {  	s18 =	sadd.s32 s24, s18;
	s25 =	spop (v2sf)  }
0x44: {  	s18 =	sadd.s32 s25, s18;
	s26 =	spop (v2sf)  }
0x45: {  	s18 =	sadd.s32 s26, s18;
	s28 =	spop (v2sf)  }
0x46: {  	s18 =	sadd.s32 s28, s18;
	s29 =	spop (v2sf)  }
0x47: {  	s16 =	sadd.s32 $0x1, s16;
	s18 =	sadd.s32 s29, s18;
	s30 =	spop (v2sf)  }
0x48: {  	p4 =	seq.s32 s16, $0x1F;
	s18 =	sadd.s32 s30, s18;
	s31 =	spop (v2sf)  }
.Ltmp5:
0x49: {  	s18 =	sadd.s32 s31, s18;
	(pc) =	sbr.rel @!p4 .LBB2_3-.Ltmp5, $4  }
0x4a: {  	p3 =	slt.s32 s18, $0x100  }
0x4b: {  	s17 =	smov.u32 @p3 s15  }
0x4c: {  	p6 =	seq.s32 s18, $0x100;
	s17 =	smov.u32 @p2 s15  }
0x4d: {  	p2 =	por p2, p6;
	s15 =	smov.u32 s17  }
0x4e: {  	s16 =	simm.s32 $0x0  }
0x4f: {  	v4 =	vld [tilespmem:s16+$0x0]  }
0x50: {  	v2 =	vmov s17;
	v3 =	vimm.s32 $0x0;
	s15 =	simm.s32 $0x40  }
.LBB2_7:
0x51: {  	p2 =	sne.s32 s15, $0xFC0  }
.Ltmp6:
0x52: {  	_ = 	snop;
	(pc) =	sbr.rel @p2 .LBB2_7-.Ltmp6, $4  }
0x53: {  	_ = 	snop  }
0x54: {  	s16 =	sshra.s32 s15, $0x2;
	s15 =	sadd.s32 $0x40, s15;
	vm0 =	vgt.s32 v4, v2  }
0x55: {  	v4 =	vld [tilespmem:s16+$0x0];
	v5 =	vsel vm0, $0x1, v0  }
0x56: {  	v3 =	vadd.s32 v5, v3  }
0x57: {  	_ =	sdelay $0x1  }
0x58: {  	s17 =	simm.s32 $0x0  }
0x59: {  	v5 =	vld [tilespmem:s17+$0x0];
	vm0 =	vgt.s32 v4, v2  }
0x5a: {  	v4 =	vsel vm0, $0x1, v0  }
0x5b: {  	v3 =	vadd.s32 v4, v3  }
0x5c: {  	(v2sf) =	vpush v3, $0x0  }
0x5d: {  	(v2sf) =	vpush v3, $0x1  }
0x5e: {  	vm0 =	veq.s32 v5, v2;
	(v2sf) =	vpush v3, $0x2  }
0x5f: {  	v4 =	vsel vm0, $0x1, v0;
	(v2sf) =	vpush v3, $0x3  }
0x60: {  	[tilespmem:$0x810] =	vst v4;
	(v2sf) =	vpush v3, $0x4  }
0x61: {  	v6 =	vld [tilespmem:$0x80F];
	(v2sf) =	vpush v3, $0x5  }
0x62: {  	(v2sf) =	vpush v3, $0x6  }
0x63: {  	(v2sf) =	vpush v3, $0x7  }
0x64: {  	(v2sf) =	vpush v3, $0x8  }
0x65: {  	(v2sf) =	vpush v3, $0x9  }
0x66: {  	v4 =	vadd.s32 v4, v6;
	(v2sf) =	vpush v3, $0xA  }
0x67: {  	[tilespmem:$0x810] =	vst v4;
	(v2sf) =	vpush v3, $0xB  }
0x68: {  	v6 =	vld [tilespmem:$0x80E];
	(v2sf) =	vpush v3, $0xC  }
0x69: {  	(v2sf) =	vpush v3, $0xD  }
0x6a: {  	(v2sf) =	vpush v3, $0xE  }
0x6b: {  	s15 =	spop (v2sf);
	(v2sf) =	vpush v3, $0xF  }
0x6c: {  	s16 =	spop (v2sf)  }
0x6d: {  	v3 =	vadd.s32 v4, v6;
	s18 =	spop (v2sf);
	s15 =	sadd.s32 s15, s16  }
0x6e: {  	[tilespmem:$0x810] =	vst v3;
	s30 =	spop (v2sf);
	s15 =	sadd.s32 s18, s15  }
0x6f: {  	v4 =	vld [tilespmem:$0x80C];
	s31 =	spop (v2sf);
	s15 =	sadd.s32 s30, s15  }
0x70: {  	s19 =	spop (v2sf);
	s15 =	sadd.s32 s31, s15  }
0x71: {  	s20 =	spop (v2sf);
	s15 =	sadd.s32 s19, s15  }
0x72: {  	s21 =	spop (v2sf);
	s15 =	sadd.s32 s20, s15  }
0x73: {  	s22 =	spop (v2sf);
	s15 =	sadd.s32 s21, s15  }
0x74: {  	v3 =	vadd.s32 v3, v4;
	s23 =	spop (v2sf);
	s15 =	sadd.s32 s22, s15  }
0x75: {  	[tilespmem:$0x810] =	vst v3;
	s24 =	spop (v2sf);
	s15 =	sadd.s32 s23, s15  }
0x76: {  	v4 =	vld [tilespmem:$0x808];
	s25 =	spop (v2sf);
	s15 =	sadd.s32 s24, s15  }
0x77: {  	s26 =	spop (v2sf);
	s15 =	sadd.s32 s25, s15  }
0x78: {  	s28 =	spop (v2sf);
	s15 =	sadd.s32 s26, s15  }
0x79: {  	s29 =	spop (v2sf);
	s15 =	sadd.s32 s28, s15  }
0x7a: {  	s30 =	spop (v2sf);
	s15 =	sadd.s32 s29, s15  }
0x7b: {  	v6 =	vadd.s32 v3, v4;
	s16 =	sadd.s32 s30, s15;
	s15 =	simm.s32 $0x10  }
0x7c: {  	(v2sf) =	vpush v6, $0xF;
	s31 =	ssub.s32 $0x100, s16;
	s16 =	simm.s32 $0x0;
	v4 =	vld [tilespmem:s15+$0x0]  }
0x7d: {  	v3 =	vmov s31;
	v6 =	vadd.s32 s16, v6  }
0x7e: {  	vm1 =	vle.s32 v6, v3  }
0x7f: {  	vm2 =	vgt.s32 v5, v2;
	vm0 =	vmand vm0, vm1  }
0x80: {  	vm1 =	vmor vm2, vm0  }
0x81: {  	vm0 =	veq.s32 v4, v2;
	v5 =	vsel vm1, $0x3F800000, v1  }
0x82: {  	v6 =	vsel vm0, $0x1, v0;
	[tilespmem:s17+$0x400] =	vst v5  }
0x83: {  	[tilespmem:$0x810] =	vst v6  }
0x84: {  	v5 =	vld [tilespmem:$0x80F];
	_ =	sdelay $0x4  }
0x85: {  	v5 =	vadd.s32 v6, v5  }
0x86: {  	[tilespmem:$0x810] =	vst v5  }
0x87: {  	s17 =	simm.s32 $0x80;
	s18 =	spop (v2sf);
	v6 =	vld [tilespmem:$0x80E]  }
.LBB2_9:
0x88: {  	p2 =	sne.s32 s17, $0xFC0  }
0x89: {  	s16 =	sadd.s32 s16, s18;
	s18 =	smov.u32 s17;
	s17 =	sadd.s32 $0x40, s17  }
0x8a: {  	_ =	sdelay $0x1  }
0x8b: {  	v5 =	vadd.s32 v5, v6  }
0x8c: {  	[tilespmem:$0x810] =	vst v5  }
0x8d: {  	v6 =	vld [tilespmem:$0x80C];
	_ =	sdelay $0x4  }
0x8e: {  	v5 =	vadd.s32 v5, v6  }
0x8f: {  	[tilespmem:$0x810] =	vst v5  }
0x90: {  	v6 =	vld [tilespmem:$0x808];
	_ =	sdelay $0x3  }
0x91: {  	s18 =	sshra.s32 s18, $0x2  }
0x92: {  	v7 =	vld [tilespmem:s18+$0x0];
	v5 =	vadd.s32 v5, v6  }
0x93: {  	v6 =	vadd.s32 s16, v5;
	(v2sf) =	vpush v5, $0xF  }
0x94: {  	vm1 =	vle.s32 v6, v3  }
0x95: {  	vm2 =	vgt.s32 v4, v2;
	vm0 =	vmand vm0, vm1  }
0x96: {  	vm1 =	vmor vm2, vm0  }
0x97: {  	vm0 =	veq.s32 v7, v2;
	v5 =	vsel vm1, $0x3F800000, v1;
	v4 =	vmov v7  }
0x98: {  	v6 =	vsel vm0, $0x1, v0;
	[tilespmem:s15+$0x400] =	vst v5;
	s15 =	smov.u32 s18  }
0x99: {  	[tilespmem:$0x810] =	vst v6  }
0x9a: {  	v5 =	vld [tilespmem:$0x80F];
	_ =	sdelay $0x3  }
.Ltmp7:
0x9b: {  	(pc) =	sbr.rel @p2 .LBB2_9-.Ltmp7, $4  }
0x9c: {  	v5 =	vadd.s32 v6, v5  }
0x9d: {  	[tilespmem:$0x810] =	vst v5  }
0x9e: {  	v6 =	vld [tilespmem:$0x80E]  }
0x9f: {  	s18 =	spop (v2sf)  }
0xa0: {  	_ =	sdelay $0x2  }
0xa1: {  	v5 =	vadd.s32 v5, v6  }
0xa2: {  	[tilespmem:$0x810] =	vst v5  }
0xa3: {  	v62 =	vld [tilespmem:$0x80C];
	_ =	sdelay $0x4  }
0xa4: {  	v5 =	vadd.s32 v5, v62  }
0xa5: {  	[tilespmem:$0x810] =	vst v5  }
0xa6: {  	v63 =	vld [tilespmem:$0x808];
	_ =	sdelay $0x4  }
0xa7: {  	v5 =	vadd.s32 v5, v63  }
0xa8: {  	(v2sf) =	vpush v5, $0xF;
	_ =	sdelay $0x5  }
0xa9: {  	s16 =	sadd.s32 s16, s18  }
0xaa: {  	v5 =	vadd.s32 s16, v5  }
0xab: {  	vm1 =	vle.s32 v5, v3  }
0xac: {  	vm2 =	vgt.s32 v4, v2;
	vm0 =	vmand vm0, vm1  }
0xad: {  	vm0 =	vmor vm2, vm0  }
0xae: {  	v2 =	vsel vm0, $0x3F800000, v1  }
0xaf: {  	[tilespmem:s15+$0x400] =	vst v2  }
0xb0: {  	[hbm4b:s6+s8] =	stream.strided.scatter [tilespmem:s9], [sflag:$0x1], $0x400, s9, s8, $0x38;
	[tilespmem:$0x2C80] =	vst v63  }
.Ltmp8:
0xb1: {  	_ = 	snop;
	(pc) =	sbr.rel .LBB2_11-.Ltmp8, $4  }
0xb2: {  	s31 =	spop (v2sf)  }
0xb3: {  	_ =	swait.ge [sflag:s10], $0x400  }
0xb4: {  	[sflag:s10] =	ssyncset.done $0x0  }
0xb5: {  	[sflag:s10] =	ssyncadd.s32 $0xFFFFFC00  }
.LBB2_12:
0xb6: {  	s15 =	simm.s32 $0x0  }
0xb7: {  	[tilespmem:s12], [sflag:$0x1] =	stream.linear.gather [hbm4b:s1+s15], $0x2000, $0x38;
	[tilespmem:$0x2C80] =	vst v63  }
0xb8: {  	_ =	swait.ge [sflag:s10], $0x2000  }
0xb9: {  	s16 =	sand.u32 $0x70, s15;
	s15 =	sand.u32 $0x1C00, s15;
	[sflag:s10] =	ssyncset.done $0x0  }
0xba: {  	s15 =	sor.u32 s16, s15;
	[sflag:s10] =	ssyncadd.s32 $0xFFFFE000  }
0xbb: {  	v2 =	vld [tilespmem:s15+$0x900]  }
0xbc: {  	v3 =	vld [tilespmem:s15+$0x880];
	_ =	sdelay $0x1  }
0xbd: {  	v4 =	vld [tilespmem:s15+$0x980];
	_ =	sdelay $0x1  }
0xbe: {  	v5 =	vld [tilespmem:s15+$0xA00]  }
0xbf: {  	v2 =	vadd.f32 v2, v3  }
0xc0: {  	v3 =	vld [tilespmem:s15+$0xA80]  }
0xc1: {  	v2 =	vadd.f32 v4, v2  }
0xc2: {  	v62 =	vld [tilespmem:s15+$0xB00]  }
0xc3: {  	v2 =	vadd.f32 v5, v2  }
0xc4: {  	v63 =	vld [tilespmem:s15+$0xB80]  }
0xc5: {  	v2 =	vadd.f32 v3, v2  }
0xc6: {  	v3 =	vld [tilespmem:s15+$0xC00]  }
0xc7: {  	v2 =	vadd.f32 v62, v2;
	_ =	sdelay $0x1  }
0xc8: {  	v2 =	vadd.f32 v63, v2;
	_ =	sdelay $0x1  }
0xc9: {  	v2 =	vadd.f32 v3, v2;
	_ =	sdelay $0x1  }
0xca: {  	s17 =	simm.s32 $0x10;
	s16 =	simm.s32 $0x80;
	v2 =	vmul.f32 $1.250000000e-01, v2  }
0xcb: {  	s17 =	sand.u32 $0x70, s17;
	s18 =	sand.u32 $0x1C00, s16;
	s15 =	simm.s32 $0x2880  }
0xcc: {  	s18 =	sor.u32 s17, s18;
	s17 =	simm.s32 $0x20;
	[tilespmem:s15+$0x0] =	vst v2  }
.LBB2_13:
0xcd: {  	p2 =	sne.s32 s17, $0x3F0;
	v2 =	vld [tilespmem:s18+$0x900]  }
0xce: {  	v3 =	vld [tilespmem:s18+$0x880];
	_ =	sdelay $0x1  }
0xcf: {  	v4 =	vld [tilespmem:s18+$0x980];
	_ =	sdelay $0x1  }
0xd0: {  	v5 =	vld [tilespmem:s18+$0xA00]  }
0xd1: {  	v2 =	vadd.f32 v2, v3  }
0xd2: {  	v3 =	vld [tilespmem:s18+$0xA80]  }
0xd3: {  	v2 =	vadd.f32 v4, v2  }
0xd4: {  	v4 =	vld [tilespmem:s18+$0xB00]  }
0xd5: {  	v2 =	vadd.f32 v5, v2  }
0xd6: {  	v5 =	vld [tilespmem:s18+$0xB80]  }
0xd7: {  	v2 =	vadd.f32 v3, v2  }
0xd8: {  	v3 =	vld [tilespmem:s18+$0xC00]  }
0xd9: {  	v2 =	vadd.f32 v4, v2;
	_ =	sdelay $0x1  }
0xda: {  	v2 =	vadd.f32 v5, v2;
	_ =	sdelay $0x1  }
.Ltmp9:
0xdb: {  	v2 =	vadd.f32 v3, v2;
	(pc) =	sbr.rel @p2 .LBB2_13-.Ltmp9, $4  }
0xdc: {  	_ = 	snop  }
0xdd: {  	s16 =	sadd.s32 $0x80, s16;
	v2 =	vmul.f32 $1.250000000e-01, v2  }
0xde: {  	s15 =	sadd.s32 $0x10, s15;
	s19 =	sand.u32 $0x1C00, s16;
	s18 =	sand.u32 $0x70, s17  }
0xdf: {  	s17 =	sadd.s32 $0x10, s17;
	s18 =	sor.u32 s18, s19;
	[tilespmem:s15+$0x0] =	vst v2  }
0xe0: {  	v2 =	vld [tilespmem:s18+$0x900]  }
0xe1: {  	v3 =	vld [tilespmem:s18+$0x880];
	_ =	sdelay $0x1  }
0xe2: {  	v4 =	vld [tilespmem:s18+$0x980];
	_ =	sdelay $0x1  }
0xe3: {  	v5 =	vld [tilespmem:s18+$0xA00]  }
0xe4: {  	v2 =	vadd.f32 v2, v3  }
0xe5: {  	v3 =	vld [tilespmem:s18+$0xA80]  }
0xe6: {  	v2 =	vadd.f32 v4, v2  }
0xe7: {  	v62 =	vld [tilespmem:s18+$0xB00]  }
0xe8: {  	v2 =	vadd.f32 v5, v2  }
0xe9: {  	v63 =	vld [tilespmem:s18+$0xB80]  }
0xea: {  	v2 =	vadd.f32 v3, v2  }
0xeb: {  	v3 =	vld [tilespmem:s18+$0xC00]  }
0xec: {  	v2 =	vadd.f32 v62, v2;
	_ =	sdelay $0x1  }
0xed: {  	v2 =	vadd.f32 v63, v2;
	_ =	sdelay $0x1  }
0xee: {  	v2 =	vadd.f32 v3, v2;
	_ =	sdelay $0x1  }
0xef: {  	v2 =	vmul.f32 $1.250000000e-01, v2  }
0xf0: {  	s15 =	sadd.s32 $0x10, s15  }
.Ltmp10:
0xf1: {  	[tilespmem:s15+$0x0] =	vst v2;
	(pc) =	sbr.rel .LBB2_15-.Ltmp10, $4  }
0xf2: {  	[hbm4b:s4+s3] =	stream.linear.scatter [tilespmem:s13], [sflag:$0x1], $0x400, $0x38;
	[tilespmem:$0x2C80] =	vst v63  }
0xf3: {  	_ =	swait.ge [sflag:s10], $0x400  }
0xf4: {  	[sflag:s10] =	ssyncset.done $0x0  }
0xf5: {  	[sflag:s10] =	ssyncadd.s32 $0xFFFFFC00  }
.LBB2_16:
0xf6: {  	_ =	sfence.sel $0x180000  }
0xf7: {  	[bflag:$0x0] =	sbarrier.arrive $0xFFFF  }
0xf8: {  	p0 =	sne.s32 s2, $0x0;
	_ =	strace $0x90000047  }
0xf9: {  	s0 =	sadd.s32 @!p0 $0x100000, s0;
	[bflag:$0x2] =	sbarrier.arrive $0xFFFF  }
0xfa: {  	[sflag:s0] =	ssyncadd.tile.s32 @!p0 $0x1;
	_ =	shalt  }
.Lfunc_end2:
_tile_overlayer_lowered:
.L_overlay_start_2:
0xfb: {  	(tag) =	ssettag $0x2  }
0xfc: {  	s0 =	rddreg [dreg:$0x0];
	s2 =	stileid.u32  }
0xfd: {  	s1 =	rddreg [dreg:$0x1];
	p0 =	sne.s32 s2, $0x0  }
0xfe: {  	s3 =	rddreg [dreg:$0x2];
	[bflag:$0x3] =	sbarrier.arrive $0xFFFF;
	s2 =	simm.s32 @!p0 $0x1C01  }
0xff: {  	[timem:s3], [sflag:s2] =	dma.local @!p0 [hbm:s0], s1  }
0x100: {  	s0 =	simm.s32 @!p0 $0x1  }
0x101: {  	_ =	swait.ge @!p0 [sflag:s0], s1  }
0x102: {  	s1 =	ssub.s32 @!p0 $0x0, s1;
	[sflag:s0] =	ssyncset.done @!p0 $0x0  }
0x103: {  	[sflag:s0] =	ssyncadd.s32 @!p0 s1  }
0x104: {  	[bflag:$0x3] =	sbarrier.arrive $0xFFFF  }
0x105: {  	_ =	shalt  }

</sc_bundles>
